<compile_context>
chip_gen: v7x
topology: tpu7x:2x2x1
jax: 0.10.2.dev20260603
libtpu: 0.0.44.dev20260713+nightly
codegen_flags: <defaults>
</compile_context>

<pallas_src>
import functools

import jax
import jax.numpy as jnp
from jax import lax
from jax.experimental import pallas as pl
from jax.experimental.pallas import tpu as pltpu
from jax.experimental.pallas import tpu_sc as plsc

BATCH = 16384
EMB = 64
CHUNK = 128
VROWS = 1024
PADW = 2 * EMB
NBUF = 7


def _make_sc_gather(n_workers: int, batch: int):
    b_per_w = batch // n_workers
    n_chunks = b_per_w // CHUNK
    mesh = plsc.VectorSubcoreMesh(core_axis_name="c", subcore_axis_name="s")

    @functools.partial(
        pl.kernel,
        mesh=mesh,
        out_type=[jax.ShapeDtypeStruct((batch, PADW), jnp.float32)] * 3,
        scratch_types=(
            [pltpu.VMEM((n_chunks, 3, CHUNK), jnp.int32)]
            + [pltpu.VMEM((NBUF, CHUNK, PADW), jnp.float32)]
            + [pltpu.SemaphoreType.DMA] * 2
        ),
    )
    def sc_gather(ix, pc, o1, o2, o3, xb, buf, gsem, wsem):
        wid = lax.axis_index("s") * 2 + lax.axis_index("c")
        base = wid * b_per_w
        cbase = wid * n_chunks
        pltpu.sync_copy(ix.at[pl.ds(cbase, n_chunks)], xb)

        units = [(t, pc, ov, j)
                 for t, ov in enumerate((o1, o2, o3))
                 for j in range(n_chunks)]
        n_units = len(units)
        depth = NBUF - 1
        gcp = [None] * n_units
        wcp = [None] * n_units

        def _write(u):
            t, pv, ov, j = units[u]
            gcp[u].wait()
            wcp[u] = pltpu.async_copy(
                buf.at[u % NBUF], ov.at[pl.ds(base + j * CHUNK, CHUNK)], wsem)

        for u in range(n_units):
            t, pv, ov, j = units[u]
            if u >= NBUF:
                wcp[u - NBUF].wait()
            gcp[u] = pltpu.async_copy(pv.at[xb.at[j, t]], buf.at[u % NBUF],
                                      gsem)
            if u >= depth:
                _write(u - depth)
        for u in range(n_units - depth, n_units):
            _write(u)
        for u in range(n_units - NBUF, n_units):
            wcp[u].wait()

    return sc_gather


def _mlp_body(g1, g2, g3, w1a, w1b, w1c, b1, w2, b2, w3, b3, wlt, bl, out):
    f32 = jnp.float32
    bf16 = jnp.bfloat16
    h = (jnp.dot(g1[:, :EMB].astype(bf16), w1a[...],
                 preferred_element_type=f32)
         + jnp.dot(g2[:, :EMB].astype(bf16), w1b[...],
                   preferred_element_type=f32)
         + jnp.dot(g3[:, :EMB].astype(bf16), w1c[...],
                   preferred_element_type=f32)
         + b1[...])
    h = jnp.tanh(h).astype(bf16)
    h = jnp.tanh(jnp.dot(h, w2[...], preferred_element_type=f32)
                 + b2[...]).astype(bf16)
    h = jnp.tanh(jnp.dot(h, w3[...], preferred_element_type=f32) + b3[...])
    res = jnp.sum(h * wlt[...], axis=1) + bl[0, 0]
    out[...] = res.reshape(out.shape)


def kernel(x, E1, E2, E3, W1, b1, W2, b2, W3, b3, Wl, bl):
    ix = jnp.swapaxes(
        (x.astype(jnp.int32)
         + jnp.array([0, VROWS, 2 * VROWS], jnp.int32)
         ).reshape(BATCH // CHUNK, CHUNK, 3), 1, 2)
    bf16 = jnp.bfloat16
    pc = jnp.pad(jnp.concatenate([E1[:VROWS], E2[:VROWS], E3], axis=0),
                 ((0, 0), (0, PADW - EMB)))

    info = plsc.get_sparse_core_info()
    n_workers = info.num_cores * info.num_subcores
    g1, g2, g3 = _make_sc_gather(n_workers, BATCH)(ix, pc)

    BT = 4096
    d1, d2, d3 = W1.shape[1], W2.shape[1], W3.shape[1]
    full = lambda shape: pl.BlockSpec(shape, lambda i: (0, 0))
    out = pl.pallas_call(
        _mlp_body,
        grid=(BATCH // BT,),
        in_specs=[
            pl.BlockSpec((BT, PADW), lambda i: (i, 0)),
            pl.BlockSpec((BT, PADW), lambda i: (i, 0)),
            pl.BlockSpec((BT, PADW), lambda i: (i, 0)),
            full((EMB, d1)), full((EMB, d1)), full((EMB, d1)),
            full((1, d1)),
            full((d1, d2)), full((1, d2)),
            full((d2, d3)), full((1, d3)),
            full((1, d3)),
            full((1, 1)),
        ],
        out_specs=pl.BlockSpec((BT // 128, 128), lambda i: (i, 0)),
        out_shape=jax.ShapeDtypeStruct((BATCH // 128, 128), jnp.float32),
    )(g1, g2, g3,
      W1[:EMB].astype(bf16), W1[EMB:2 * EMB].astype(bf16),
      W1[2 * EMB:].astype(bf16),
      b1.reshape(1, d1), W2.astype(bf16), b2.reshape(1, d2),
      W3.astype(bf16), b3.reshape(1, d3),
      Wl.reshape(1, d3), bl.reshape(1, 1))
    return out.reshape(BATCH, 1)

# --- scband reference (transcript-rebuilt; emitter-appended) ---
"""Pipeline reference for scband-triple-factorized-mlp-29798483100119 (READ-ONLY COPY).

The authoritative reference and input builder live on the scoring server;
editing this copy changes nothing except your own understanding.
"""

import jax, jax.numpy as jnp
import numpy as np

EMB = 64
LAYERS = [512, 256, 128]
VOCABS = [100000, 100000, 1000]
BATCH = 16384


def setup_inputs(seed: int = 0) -> dict:
    key = jax.random.key(seed)
    ks = jax.random.split(key, 13)
    x = jax.random.randint(ks[0], (BATCH, 3), 0, 1000, dtype=jnp.int64 if jax.config.read('jax_enable_x64') else jnp.int32)
    E1 = jax.random.normal(ks[1], (VOCABS[0], EMB), dtype=jnp.float32) * 0.02
    E2 = jax.random.normal(ks[2], (VOCABS[1], EMB), dtype=jnp.float32) * 0.02
    E3 = jax.random.normal(ks[3], (VOCABS[2], EMB), dtype=jnp.float32) * 0.02
    d_in = EMB * 3
    W1 = jax.random.normal(ks[4], (d_in, LAYERS[0]), dtype=jnp.float32) * (1.0 / np.sqrt(d_in))
    b1 = jnp.zeros((LAYERS[0],), dtype=jnp.float32)
    W2 = jax.random.normal(ks[5], (LAYERS[0], LAYERS[1]), dtype=jnp.float32) * (1.0 / np.sqrt(LAYERS[0]))
    b2 = jnp.zeros((LAYERS[1],), dtype=jnp.float32)
    W3 = jax.random.normal(ks[6], (LAYERS[1], LAYERS[2]), dtype=jnp.float32) * (1.0 / np.sqrt(LAYERS[1]))
    b3 = jnp.zeros((LAYERS[2],), dtype=jnp.float32)
    Wl = jax.random.normal(ks[7], (LAYERS[2], 1), dtype=jnp.float32) * (1.0 / np.sqrt(LAYERS[2]))
    bl = jnp.zeros((1,), dtype=jnp.float32)
    return {"x": x, "E1": E1, "E2": E2, "E3": E3, "W1": W1, "b1": b1, "W2": W2, "b2": b2, "W3": W3, "b3": b3, "Wl": Wl, "bl": bl}


def reference(x, E1, E2, E3, W1, b1, W2, b2, W3, b3, Wl, bl):
    gene = jnp.take(E1, x[:, 0], axis=0)
    patient = jnp.take(E2, x[:, 1], axis=0)
    domain = jnp.take(E3, x[:, 2], axis=0)
    h = jnp.concatenate([gene, patient, domain], axis=1)
    h = jnp.tanh(h @ W1 + b1)
    h = jnp.tanh(h @ W2 + b2)
    h = jnp.tanh(h @ W3 + b3)
    out = h @ Wl + bl
    return out

if __name__ == "__main__":
    import jax
    _d = setup_inputs()
    print(jax.jit(kernel)(*tuple(_d.values())))

</pallas_src>

<mosaic_0001>
#map = affine_map<(d0, d1) -> (0, 0, 0)>
#map1 = affine_map<(d0, d1) -> (0, 0)>
module attributes {stable_mosaic.version = 14 : i64} {
  func.func @sc_gather(%arg0: i32, %arg1: i32, %arg2: memref<128x3x128xi32, #tpu.memory_space<hbm>>, %arg3: memref<3048x128xf32, #tpu.memory_space<hbm>>, %arg4: memref<16384x128xf32, #tpu.memory_space<hbm>>, %arg5: memref<16384x128xf32, #tpu.memory_space<hbm>>, %arg6: memref<16384x128xf32, #tpu.memory_space<hbm>>, %arg7: memref<4x3x128xi32, #tpu.memory_space<vmem>>, %arg8: memref<7x128x128xf32, #tpu.memory_space<vmem>>, %arg9: memref<!tpu.dma_semaphore, #tpu.memory_space<semaphore_mem>>, %arg10: memref<!tpu.dma_semaphore, #tpu.memory_space<semaphore_mem>>) attributes {dimension_semantics = [#tpu.dimension_semantics<core_parallel>, #tpu.dimension_semantics<subcore_parallel>], iteration_bounds = array<i64: 2, 16>, scalar_prefetch = 0 : i64, scratch_operands = 4 : i64, tpu.core_type = #tpu.core_type<sc_vector_subcore>, window_params = [{transform_indices = #map}, {transform_indices = #map1}, {transform_indices = #map1}, {transform_indices = #map1}, {transform_indices = #map1}]} {
    %mul3A = arith.constant 2 : i32
    %mul3A_0 = arith.muli %arg1, %mul3A : i32
    %add3A = arith.addi %mul3A_0, %arg0 : i32
    %mul3A_1 = arith.constant 512 : i32
    %mul3A_2 = arith.muli %add3A, %mul3A_1 : i32
    %mul3A_3 = arith.constant 4 : i32
    %mul3A_4 = arith.muli %add3A, %mul3A_3 : i32
    "tpu.region"() ({
      %run_scoped3A = tpu.sem_alloc : memref<!tpu.dma_semaphore, #tpu.memory_space<semaphore_mem>>
      %dma_start3A_651 = arith.constant 0 : i32
      %dma_start3A_652 = arith.constant 0 : i32
      %dma_start3A_653 = tpu.memref_slice %arg2[%mul3A_4, %dma_start3A_651, %dma_start3A_652] : memref<128x3x128xi32, #tpu.memory_space<hbm>> -> memref<4x3x128xi32, #tpu.memory_space<hbm>>
      %dma_start3A_654 = arith.constant 0 : i32
      %dma_start3A_655 = arith.constant 0 : i32
      %dma_start3A_656 = tpu.memref_slice %arg2[%mul3A_4, %dma_start3A_654, %dma_start3A_655] : memref<128x3x128xi32, #tpu.memory_space<hbm>> -> memref<4x3x128xi32, #tpu.memory_space<hbm>>
      tpu.enqueue_dma source(%dma_start3A_656 : memref<4x3x128xi32, #tpu.memory_space<hbm>>) target(%arg7 : memref<4x3x128xi32, #tpu.memory_space<vmem>>) target_semaphore(%run_scoped3A : memref<!tpu.dma_semaphore, #tpu.memory_space<semaphore_mem>>)
      %dma_wait3A_657 = arith.constant 0 : i32
      %dma_wait3A_658 = arith.constant 0 : i32
      %dma_wait3A_659 = tpu.memref_slice %arg2[%mul3A_4, %dma_wait3A_657, %dma_wait3A_658] : memref<128x3x128xi32, #tpu.memory_space<hbm>> -> memref<4x3x128xi32, #tpu.memory_space<hbm>>
      %dma_wait3A_660 = arith.constant 0 : i32
      %dma_wait3A_661 = arith.constant 0 : i32
      %dma_wait3A_662 = tpu.memref_slice %arg2[%mul3A_4, %dma_wait3A_660, %dma_wait3A_661] : memref<128x3x128xi32, #tpu.memory_space<hbm>> -> memref<4x3x128xi32, #tpu.memory_space<hbm>>
      tpu.wait_dma2 semaphore(%run_scoped3A : memref<!tpu.dma_semaphore, #tpu.memory_space<semaphore_mem>>) src(%dma_wait3A_662 : memref<4x3x128xi32, #tpu.memory_space<hbm>>) dst(%arg7 : memref<4x3x128xi32, #tpu.memory_space<vmem>>)
      tpu.yield
    }) : () -> ()
    %dma_start3A = arith.constant 0 : i32
    %dma_start3A_5 = arith.constant 0 : i32
    %dma_start3A_6 = arith.constant 0 : i32
    %dma_start3A_7 = arith.constant 0 : i32
    %dma_start3A_8 = arith.constant 0 : i32
    %dma_start3A_9 = tpu.memref_slice %arg8[%dma_start3A_6, %dma_start3A_7, %dma_start3A_8] : memref<7x128x128xf32, #tpu.memory_space<vmem>> -> memref<1x128x128xf32, #tpu.memory_space<vmem>>
    %dma_start3A_10 = tpu.memref_squeeze %dma_start3A_9 : memref<1x128x128xf32, #tpu.memory_space<vmem>> -> memref<128x128xf32, #tpu.memory_space<vmem>>
    %dma_start3A_11 = arith.constant 0 : i32
    %dma_start3A_12 = tpu.memref_slice %arg7[%dma_start3A, %dma_start3A_5, %dma_start3A_11] : memref<4x3x128xi32, #tpu.memory_space<vmem>> -> memref<1x1x128xi32, #tpu.memory_space<vmem>>
    %dma_start3A_13 = tpu.memref_squeeze %dma_start3A_12 : memref<1x1x128xi32, #tpu.memory_space<vmem>> -> memref<128xi32, #tpu.memory_space<vmem>>
    %dma_start3A_14 = arith.constant 0 : i32
    %dma_start3A_15 = arith.constant 0 : i32
    %dma_start3A_16 = tpu.memref_slice %arg3[%dma_start3A_14, %dma_start3A_15] : memref<3048x128xf32, #tpu.memory_space<hbm>> -> memref<3048x128xf32, #tpu.memory_space<hbm>>
    tpu.enqueue_indirect_dma source(%dma_start3A_16 : memref<3048x128xf32, #tpu.memory_space<hbm>>) target(%dma_start3A_10 : memref<128x128xf32, #tpu.memory_space<vmem>>) offsets(%dma_start3A_13 : memref<128xi32, #tpu.memory_space<vmem>>) semaphore(%arg9 : memref<!tpu.dma_semaphore, #tpu.memory_space<semaphore_mem>>)
    %dma_start3A_17 = arith.constant 1 : i32
    %dma_start3A_18 = arith.constant 0 : i32
    %dma_start3A_19 = arith.constant 1 : i32
    %dma_start3A_20 = arith.constant 0 : i32
    %dma_start3A_21 = arith.constant 0 : i32
    %dma_start3A_22 = tpu.memref_slice %arg8[%dma_start3A_19, %dma_start3A_20, %dma_start3A_21] : memref<7x128x128xf32, #tpu.memory_space<vmem>> -> memref<1x128x128xf32, #tpu.memory_space<vmem>>
    %dma_start3A_23 = tpu.memref_squeeze %dma_start3A_22 : memref<1x128x128xf32, #tpu.memory_space<vmem>> -> memref<128x128xf32, #tpu.memory_space<vmem>>
    %dma_start3A_24 = arith.constant 0 : i32
    %dma_start3A_25 = tpu.memref_slice %arg7[%dma_start3A_17, %dma_start3A_18, %dma_start3A_24] : memref<4x3x128xi32, #tpu.memory_space<vmem>> -> memref<1x1x128xi32, #tpu.memory_space<vmem>>
    %dma_start3A_26 = tpu.memref_squeeze %dma_start3A_25 : memref<1x1x128xi32, #tpu.memory_space<vmem>> -> memref<128xi32, #tpu.memory_space<vmem>>
    %dma_start3A_27 = arith.constant 0 : i32
    %dma_start3A_28 = arith.constant 0 : i32
    %dma_start3A_29 = tpu.memref_slice %arg3[%dma_start3A_27, %dma_start3A_28] : memref<3048x128xf32, #tpu.memory_space<hbm>> -> memref<3048x128xf32, #tpu.memory_space<hbm>>
    tpu.enqueue_indirect_dma source(%dma_start3A_29 : memref<3048x128xf32, #tpu.memory_space<hbm>>) target(%dma_start3A_23 : memref<128x128xf32, #tpu.memory_space<vmem>>) offsets(%dma_start3A_26 : memref<128xi32, #tpu.memory_space<vmem>>) semaphore(%arg9 : memref<!tpu.dma_semaphore, #tpu.memory_space<semaphore_mem>>)
    %dma_start3A_30 = arith.constant 2 : i32
    %dma_start3A_31 = arith.constant 0 : i32
    %dma_start3A_32 = arith.constant 2 : i32
    %dma_start3A_33 = arith.constant 0 : i32
    %dma_start3A_34 = arith.constant 0 : i32
    %dma_start3A_35 = tpu.memref_slice %arg8[%dma_start3A_32, %dma_start3A_33, %dma_start3A_34] : memref<7x128x128xf32, #tpu.memory_space<vmem>> -> memref<1x128x128xf32, #tpu.memory_space<vmem>>
    %dma_start3A_36 = tpu.memref_squeeze %dma_start3A_35 : memref<1x128x128xf32, #tpu.memory_space<vmem>> -> memref<128x128xf32, #tpu.memory_space<vmem>>
    %dma_start3A_37 = arith.constant 0 : i32
    %dma_start3A_38 = tpu.memref_slice %arg7[%dma_start3A_30, %dma_start3A_31, %dma_start3A_37] : memref<4x3x128xi32, #tpu.memory_space<vmem>> -> memref<1x1x128xi32, #tpu.memory_space<vmem>>
    %dma_start3A_39 = tpu.memref_squeeze %dma_start3A_38 : memref<1x1x128xi32, #tpu.memory_space<vmem>> -> memref<128xi32, #tpu.memory_space<vmem>>
    %dma_start3A_40 = arith.constant 0 : i32
    %dma_start3A_41 = arith.constant 0 : i32
    %dma_start3A_42 = tpu.memref_slice %arg3[%dma_start3A_40, %dma_start3A_41] : memref<3048x128xf32, #tpu.memory_space<hbm>> -> memref<3048x128xf32, #tpu.memory_space<hbm>>
    tpu.enqueue_indirect_dma source(%dma_start3A_42 : memref<3048x128xf32, #tpu.memory_space<hbm>>) target(%dma_start3A_36 : memref<128x128xf32, #tpu.memory_space<vmem>>) offsets(%dma_start3A_39 : memref<128xi32, #tpu.memory_space<vmem>>) semaphore(%arg9 : memref<!tpu.dma_semaphore, #tpu.memory_space<semaphore_mem>>)
    %dma_start3A_43 = arith.constant 3 : i32
    %dma_start3A_44 = arith.constant 0 : i32
    %dma_start3A_45 = arith.constant 3 : i32
    %dma_start3A_46 = arith.constant 0 : i32
    %dma_start3A_47 = arith.constant 0 : i32
    %dma_start3A_48 = tpu.memref_slice %arg8[%dma_start3A_45, %dma_start3A_46, %dma_start3A_47] : memref<7x128x128xf32, #tpu.memory_space<vmem>> -> memref<1x128x128xf32, #tpu.memory_space<vmem>>
    %dma_start3A_49 = tpu.memref_squeeze %dma_start3A_48 : memref<1x128x128xf32, #tpu.memory_space<vmem>> -> memref<128x128xf32, #tpu.memory_space<vmem>>
    %dma_start3A_50 = arith.constant 0 : i32
    %dma_start3A_51 = tpu.memref_slice %arg7[%dma_start3A_43, %dma_start3A_44, %dma_start3A_50] : memref<4x3x128xi32, #tpu.memory_space<vmem>> -> memref<1x1x128xi32, #tpu.memory_space<vmem>>
    %dma_start3A_52 = tpu.memref_squeeze %dma_start3A_51 : memref<1x1x128xi32, #tpu.memory_space<vmem>> -> memref<128xi32, #tpu.memory_space<vmem>>
    %dma_start3A_53 = arith.constant 0 : i32
    %dma_start3A_54 = arith.constant 0 : i32
    %dma_start3A_55 = tpu.memref_slice %arg3[%dma_start3A_53, %dma_start3A_54] : memref<3048x128xf32, #tpu.memory_space<hbm>> -> memref<3048x128xf32, #tpu.memory_space<hbm>>
    tpu.enqueue_indirect_dma source(%dma_start3A_55 : memref<3048x128xf32, #tpu.memory_space<hbm>>) target(%dma_start3A_49 : memref<128x128xf32, #tpu.memory_space<vmem>>) offsets(%dma_start3A_52 : memref<128xi32, #tpu.memory_space<vmem>>) semaphore(%arg9 : memref<!tpu.dma_semaphore, #tpu.memory_space<semaphore_mem>>)
    %dma_start3A_56 = arith.constant 0 : i32
    %dma_start3A_57 = arith.constant 1 : i32
    %dma_start3A_58 = arith.constant 4 : i32
    %dma_start3A_59 = arith.constant 0 : i32
    %dma_start3A_60 = arith.constant 0 : i32
    %dma_start3A_61 = tpu.memref_slice %arg8[%dma_start3A_58, %dma_start3A_59, %dma_start3A_60] : memref<7x128x128xf32, #tpu.memory_space<vmem>> -> memref<1x128x128xf32, #tpu.memory_space<vmem>>
    %dma_start3A_62 = tpu.memref_squeeze %dma_start3A_61 : memref<1x128x128xf32, #tpu.memory_space<vmem>> -> memref<128x128xf32, #tpu.memory_space<vmem>>
    %dma_start3A_63 = arith.constant 0 : i32
    %dma_start3A_64 = tpu.memref_slice %arg7[%dma_start3A_56, %dma_start3A_57, %dma_start3A_63] : memref<4x3x128xi32, #tpu.memory_space<vmem>> -> memref<1x1x128xi32, #tpu.memory_space<vmem>>
    %dma_start3A_65 = tpu.memref_squeeze %dma_start3A_64 : memref<1x1x128xi32, #tpu.memory_space<vmem>> -> memref<128xi32, #tpu.memory_space<vmem>>
    %dma_start3A_66 = arith.constant 0 : i32
    %dma_start3A_67 = arith.constant 0 : i32
    %dma_start3A_68 = tpu.memref_slice %arg3[%dma_start3A_66, %dma_start3A_67] : memref<3048x128xf32, #tpu.memory_space<hbm>> -> memref<3048x128xf32, #tpu.memory_space<hbm>>
    tpu.enqueue_indirect_dma source(%dma_start3A_68 : memref<3048x128xf32, #tpu.memory_space<hbm>>) target(%dma_start3A_62 : memref<128x128xf32, #tpu.memory_space<vmem>>) offsets(%dma_start3A_65 : memref<128xi32, #tpu.memory_space<vmem>>) semaphore(%arg9 : memref<!tpu.dma_semaphore, #tpu.memory_space<semaphore_mem>>)
    %dma_start3A_69 = arith.constant 1 : i32
    %dma_start3A_70 = arith.constant 1 : i32
    %dma_start3A_71 = arith.constant 5 : i32
    %dma_start3A_72 = arith.constant 0 : i32
    %dma_start3A_73 = arith.constant 0 : i32
    %dma_start3A_74 = tpu.memref_slice %arg8[%dma_start3A_71, %dma_start3A_72, %dma_start3A_73] : memref<7x128x128xf32, #tpu.memory_space<vmem>> -> memref<1x128x128xf32, #tpu.memory_space<vmem>>
    %dma_start3A_75 = tpu.memref_squeeze %dma_start3A_74 : memref<1x128x128xf32, #tpu.memory_space<vmem>> -> memref<128x128xf32, #tpu.memory_space<vmem>>
    %dma_start3A_76 = arith.constant 0 : i32
    %dma_start3A_77 = tpu.memref_slice %arg7[%dma_start3A_69, %dma_start3A_70, %dma_start3A_76] : memref<4x3x128xi32, #tpu.memory_space<vmem>> -> memref<1x1x128xi32, #tpu.memory_space<vmem>>
    %dma_start3A_78 = tpu.memref_squeeze %dma_start3A_77 : memref<1x1x128xi32, #tpu.memory_space<vmem>> -> memref<128xi32, #tpu.memory_space<vmem>>
    %dma_start3A_79 = arith.constant 0 : i32
    %dma_start3A_80 = arith.constant 0 : i32
    %dma_start3A_81 = tpu.memref_slice %arg3[%dma_start3A_79, %dma_start3A_80] : memref<3048x128xf32, #tpu.memory_space<hbm>> -> memref<3048x128xf32, #tpu.memory_space<hbm>>
    tpu.enqueue_indirect_dma source(%dma_start3A_81 : memref<3048x128xf32, #tpu.memory_space<hbm>>) target(%dma_start3A_75 : memref<128x128xf32, #tpu.memory_space<vmem>>) offsets(%dma_start3A_78 : memref<128xi32, #tpu.memory_space<vmem>>) semaphore(%arg9 : memref<!tpu.dma_semaphore, #tpu.memory_space<semaphore_mem>>)
    %dma_start3A_82 = arith.constant 2 : i32
    %dma_start3A_83 = arith.constant 1 : i32
    %dma_start3A_84 = arith.constant 6 : i32
    %dma_start3A_85 = arith.constant 0 : i32
    %dma_start3A_86 = arith.constant 0 : i32
    %dma_start3A_87 = tpu.memref_slice %arg8[%dma_start3A_84, %dma_start3A_85, %dma_start3A_86] : memref<7x128x128xf32, #tpu.memory_space<vmem>> -> memref<1x128x128xf32, #tpu.memory_space<vmem>>
    %dma_start3A_88 = tpu.memref_squeeze %dma_start3A_87 : memref<1x128x128xf32, #tpu.memory_space<vmem>> -> memref<128x128xf32, #tpu.memory_space<vmem>>
    %dma_start3A_89 = arith.constant 0 : i32
    %dma_start3A_90 = tpu.memref_slice %arg7[%dma_start3A_82, %dma_start3A_83, %dma_start3A_89] : memref<4x3x128xi32, #tpu.memory_space<vmem>> -> memref<1x1x128xi32, #tpu.memory_space<vmem>>
    %dma_start3A_91 = tpu.memref_squeeze %dma_start3A_90 : memref<1x1x128xi32, #tpu.memory_space<vmem>> -> memref<128xi32, #tpu.memory_space<vmem>>
    %dma_start3A_92 = arith.constant 0 : i32
    %dma_start3A_93 = arith.constant 0 : i32
    %dma_start3A_94 = tpu.memref_slice %arg3[%dma_start3A_92, %dma_start3A_93] : memref<3048x128xf32, #tpu.memory_space<hbm>> -> memref<3048x128xf32, #tpu.memory_space<hbm>>
    tpu.enqueue_indirect_dma source(%dma_start3A_94 : memref<3048x128xf32, #tpu.memory_space<hbm>>) target(%dma_start3A_88 : memref<128x128xf32, #tpu.memory_space<vmem>>) offsets(%dma_start3A_91 : memref<128xi32, #tpu.memory_space<vmem>>) semaphore(%arg9 : memref<!tpu.dma_semaphore, #tpu.memory_space<semaphore_mem>>)
    %dma_wait3A = arith.constant 0 : i32
    %dma_wait3A_95 = arith.constant 0 : i32
    %dma_wait3A_96 = arith.constant 0 : i32
    %dma_wait3A_97 = arith.constant 0 : i32
    %dma_wait3A_98 = arith.constant 0 : i32
    %dma_wait3A_99 = tpu.memref_slice %arg8[%dma_wait3A_96, %dma_wait3A_97, %dma_wait3A_98] : memref<7x128x128xf32, #tpu.memory_space<vmem>> -> memref<1x128x128xf32, #tpu.memory_space<vmem>>
    %dma_wait3A_100 = tpu.memref_squeeze %dma_wait3A_99 : memref<1x128x128xf32, #tpu.memory_space<vmem>> -> memref<128x128xf32, #tpu.memory_space<vmem>>
    %dma_wait3A_101 = arith.constant 0 : i32
    %dma_wait3A_102 = tpu.memref_slice %arg7[%dma_wait3A, %dma_wait3A_95, %dma_wait3A_101] : memref<4x3x128xi32, #tpu.memory_space<vmem>> -> memref<1x1x128xi32, #tpu.memory_space<vmem>>
    %dma_wait3A_103 = tpu.memref_squeeze %dma_wait3A_102 : memref<1x1x128xi32, #tpu.memory_space<vmem>> -> memref<128xi32, #tpu.memory_space<vmem>>
    %dma_wait3A_104 = arith.constant 0 : i32
    %dma_wait3A_105 = arith.constant 0 : i32
    %dma_wait3A_106 = tpu.memref_slice %arg3[%dma_wait3A_104, %dma_wait3A_105] : memref<3048x128xf32, #tpu.memory_space<hbm>> -> memref<3048x128xf32, #tpu.memory_space<hbm>>
    tpu.wait_indirect_dma semaphore(%arg9 : memref<!tpu.dma_semaphore, #tpu.memory_space<semaphore_mem>>) src(%dma_wait3A_106 : memref<3048x128xf32, #tpu.memory_space<hbm>>) dst(%dma_wait3A_100 : memref<128x128xf32, #tpu.memory_space<vmem>>)
    %add3A_107 = arith.constant 0 : i32
    %add3A_108 = arith.addi %mul3A_2, %add3A_107 : i32
    %dma_start3A_109 = arith.constant 0 : i32
    %dma_start3A_110 = arith.constant 0 : i32
    %dma_start3A_111 = arith.constant 0 : i32
    %dma_start3A_112 = tpu.memref_slice %arg8[%dma_start3A_109, %dma_start3A_110, %dma_start3A_111] : memref<7x128x128xf32, #tpu.memory_space<vmem>> -> memref<1x128x128xf32, #tpu.memory_space<vmem>>
    %dma_start3A_113 = tpu.memref_squeeze %dma_start3A_112 : memref<1x128x128xf32, #tpu.memory_space<vmem>> -> memref<128x128xf32, #tpu.memory_space<vmem>>
    %dma_start3A_114 = arith.constant 0 : i32
    %dma_start3A_115 = tpu.memref_slice %arg4[%add3A_108, %dma_start3A_114] : memref<16384x128xf32, #tpu.memory_space<hbm>> -> memref<128x128xf32, #tpu.memory_space<hbm>>
    %dma_start3A_116 = arith.constant 0 : i32
    %dma_start3A_117 = tpu.memref_slice %arg4[%add3A_108, %dma_start3A_116] : memref<16384x128xf32, #tpu.memory_space<hbm>> -> memref<128x128xf32, #tpu.memory_space<hbm>>
    %dma_start3A_118 = arith.constant 0 : i32
    %dma_start3A_119 = arith.constant 0 : i32
    %dma_start3A_120 = tpu.memref_slice %arg8[%dma_start3A_109, %dma_start3A_118, %dma_start3A_119] : memref<7x128x128xf32, #tpu.memory_space<vmem>> -> memref<1x128x128xf32, #tpu.memory_space<vmem>>
    %dma_start3A_121 = tpu.memref_squeeze %dma_start3A_120 : memref<1x128x128xf32, #tpu.memory_space<vmem>> -> memref<128x128xf32, #tpu.memory_space<vmem>>
    tpu.enqueue_dma source(%dma_start3A_121 : memref<128x128xf32, #tpu.memory_space<vmem>>) target(%dma_start3A_117 : memref<128x128xf32, #tpu.memory_space<hbm>>) target_semaphore(%arg10 : memref<!tpu.dma_semaphore, #tpu.memory_space<semaphore_mem>>)
    %dma_wait3A_122 = arith.constant 0 : i32
    %dma_wait3A_123 = arith.constant 0 : i32
    %dma_wait3A_124 = arith.constant 0 : i32
    %dma_wait3A_125 = tpu.memref_slice %arg8[%dma_wait3A_122, %dma_wait3A_123, %dma_wait3A_124] : memref<7x128x128xf32, #tpu.memory_space<vmem>> -> memref<1x128x128xf32, #tpu.memory_space<vmem>>
    %dma_wait3A_126 = tpu.memref_squeeze %dma_wait3A_125 : memref<1x128x128xf32, #tpu.memory_space<vmem>> -> memref<128x128xf32, #tpu.memory_space<vmem>>
    %dma_wait3A_127 = arith.constant 0 : i32
    %dma_wait3A_128 = tpu.memref_slice %arg4[%add3A_108, %dma_wait3A_127] : memref<16384x128xf32, #tpu.memory_space<hbm>> -> memref<128x128xf32, #tpu.memory_space<hbm>>
    %dma_wait3A_129 = arith.constant 0 : i32
    %dma_wait3A_130 = tpu.memref_slice %arg4[%add3A_108, %dma_wait3A_129] : memref<16384x128xf32, #tpu.memory_space<hbm>> -> memref<128x128xf32, #tpu.memory_space<hbm>>
    %dma_wait3A_131 = arith.constant 0 : i32
    %dma_wait3A_132 = arith.constant 0 : i32
    %dma_wait3A_133 = tpu.memref_slice %arg8[%dma_wait3A_122, %dma_wait3A_131, %dma_wait3A_132] : memref<7x128x128xf32, #tpu.memory_space<vmem>> -> memref<1x128x128xf32, #tpu.memory_space<vmem>>
    %dma_wait3A_134 = tpu.memref_squeeze %dma_wait3A_133 : memref<1x128x128xf32, #tpu.memory_space<vmem>> -> memref<128x128xf32, #tpu.memory_space<vmem>>
    tpu.wait_dma2 semaphore(%arg10 : memref<!tpu.dma_semaphore, #tpu.memory_space<semaphore_mem>>) src(%dma_wait3A_134 : memref<128x128xf32, #tpu.memory_space<vmem>>) dst(%dma_wait3A_130 : memref<128x128xf32, #tpu.memory_space<hbm>>)
    %dma_start3A_135 = arith.constant 3 : i32
    %dma_start3A_136 = arith.constant 1 : i32
    %dma_start3A_137 = arith.constant 0 : i32
    %dma_start3A_138 = arith.constant 0 : i32
    %dma_start3A_139 = arith.constant 0 : i32
    %dma_start3A_140 = tpu.memref_slice %arg8[%dma_start3A_137, %dma_start3A_138, %dma_start3A_139] : memref<7x128x128xf32, #tpu.memory_space<vmem>> -> memref<1x128x128xf32, #tpu.memory_space<vmem>>
    %dma_start3A_141 = tpu.memref_squeeze %dma_start3A_140 : memref<1x128x128xf32, #tpu.memory_space<vmem>> -> memref<128x128xf32, #tpu.memory_space<vmem>>
    %dma_start3A_142 = arith.constant 0 : i32
    %dma_start3A_143 = tpu.memref_slice %arg7[%dma_start3A_135, %dma_start3A_136, %dma_start3A_142] : memref<4x3x128xi32, #tpu.memory_space<vmem>> -> memref<1x1x128xi32, #tpu.memory_space<vmem>>
    %dma_start3A_144 = tpu.memref_squeeze %dma_start3A_143 : memref<1x1x128xi32, #tpu.memory_space<vmem>> -> memref<128xi32, #tpu.memory_space<vmem>>
    %dma_start3A_145 = arith.constant 0 : i32
    %dma_start3A_146 = arith.constant 0 : i32
    %dma_start3A_147 = tpu.memref_slice %arg3[%dma_start3A_145, %dma_start3A_146] : memref<3048x128xf32, #tpu.memory_space<hbm>> -> memref<3048x128xf32, #tpu.memory_space<hbm>>
    tpu.enqueue_indirect_dma source(%dma_start3A_147 : memref<3048x128xf32, #tpu.memory_space<hbm>>) target(%dma_start3A_141 : memref<128x128xf32, #tpu.memory_space<vmem>>) offsets(%dma_start3A_144 : memref<128xi32, #tpu.memory_space<vmem>>) semaphore(%arg9 : memref<!tpu.dma_semaphore, #tpu.memory_space<semaphore_mem>>)
    %dma_wait3A_148 = arith.constant 1 : i32
    %dma_wait3A_149 = arith.constant 0 : i32
    %dma_wait3A_150 = arith.constant 1 : i32
    %dma_wait3A_151 = arith.constant 0 : i32
    %dma_wait3A_152 = arith.constant 0 : i32
    %dma_wait3A_153 = tpu.memref_slice %arg8[%dma_wait3A_150, %dma_wait3A_151, %dma_wait3A_152] : memref<7x128x128xf32, #tpu.memory_space<vmem>> -> memref<1x128x128xf32, #tpu.memory_space<vmem>>
    %dma_wait3A_154 = tpu.memref_squeeze %dma_wait3A_153 : memref<1x128x128xf32, #tpu.memory_space<vmem>> -> memref<128x128xf32, #tpu.memory_space<vmem>>
    %dma_wait3A_155 = arith.constant 0 : i32
    %dma_wait3A_156 = tpu.memref_slice %arg7[%dma_wait3A_148, %dma_wait3A_149, %dma_wait3A_155] : memref<4x3x128xi32, #tpu.memory_space<vmem>> -> memref<1x1x128xi32, #tpu.memory_space<vmem>>
    %dma_wait3A_157 = tpu.memref_squeeze %dma_wait3A_156 : memref<1x1x128xi32, #tpu.memory_space<vmem>> -> memref<128xi32, #tpu.memory_space<vmem>>
    %dma_wait3A_158 = arith.constant 0 : i32
    %dma_wait3A_159 = arith.constant 0 : i32
    %dma_wait3A_160 = tpu.memref_slice %arg3[%dma_wait3A_158, %dma_wait3A_159] : memref<3048x128xf32, #tpu.memory_space<hbm>> -> memref<3048x128xf32, #tpu.memory_space<hbm>>
    tpu.wait_indirect_dma semaphore(%arg9 : memref<!tpu.dma_semaphore, #tpu.memory_space<semaphore_mem>>) src(%dma_wait3A_160 : memref<3048x128xf32, #tpu.memory_space<hbm>>) dst(%dma_wait3A_154 : memref<128x128xf32, #tpu.memory_space<vmem>>)
    %add3A_161 = arith.constant 128 : i32
    %add3A_162 = arith.addi %mul3A_2, %add3A_161 : i32
    %dma_start3A_163 = arith.constant 1 : i32
    %dma_start3A_164 = arith.constant 0 : i32
    %dma_start3A_165 = arith.constant 0 : i32
    %dma_start3A_166 = tpu.memref_slice %arg8[%dma_start3A_163, %dma_start3A_164, %dma_start3A_165] : memref<7x128x128xf32, #tpu.memory_space<vmem>> -> memref<1x128x128xf32, #tpu.memory_space<vmem>>
    %dma_start3A_167 = tpu.memref_squeeze %dma_start3A_166 : memref<1x128x128xf32, #tpu.memory_space<vmem>> -> memref<128x128xf32, #tpu.memory_space<vmem>>
    %dma_start3A_168 = arith.constant 0 : i32
    %dma_start3A_169 = tpu.memref_slice %arg4[%add3A_162, %dma_start3A_168] : memref<16384x128xf32, #tpu.memory_space<hbm>> -> memref<128x128xf32, #tpu.memory_space<hbm>>
    %dma_start3A_170 = arith.constant 0 : i32
    %dma_start3A_171 = tpu.memref_slice %arg4[%add3A_162, %dma_start3A_170] : memref<16384x128xf32, #tpu.memory_space<hbm>> -> memref<128x128xf32, #tpu.memory_space<hbm>>
    %dma_start3A_172 = arith.constant 0 : i32
    %dma_start3A_173 = arith.constant 0 : i32
    %dma_start3A_174 = tpu.memref_slice %arg8[%dma_start3A_163, %dma_start3A_172, %dma_start3A_173] : memref<7x128x128xf32, #tpu.memory_space<vmem>> -> memref<1x128x128xf32, #tpu.memory_space<vmem>>
    %dma_start3A_175 = tpu.memref_squeeze %dma_start3A_174 : memref<1x128x128xf32, #tpu.memory_space<vmem>> -> memref<128x128xf32, #tpu.memory_space<vmem>>
    tpu.enqueue_dma source(%dma_start3A_175 : memref<128x128xf32, #tpu.memory_space<vmem>>) target(%dma_start3A_171 : memref<128x128xf32, #tpu.memory_space<hbm>>) target_semaphore(%arg10 : memref<!tpu.dma_semaphore, #tpu.memory_space<semaphore_mem>>)
    %dma_wait3A_176 = arith.constant 1 : i32
    %dma_wait3A_177 = arith.constant 0 : i32
    %dma_wait3A_178 = arith.constant 0 : i32
    %dma_wait3A_179 = tpu.memref_slice %arg8[%dma_wait3A_176, %dma_wait3A_177, %dma_wait3A_178] : memref<7x128x128xf32, #tpu.memory_space<vmem>> -> memref<1x128x128xf32, #tpu.memory_space<vmem>>
    %dma_wait3A_180 = tpu.memref_squeeze %dma_wait3A_179 : memref<1x128x128xf32, #tpu.memory_space<vmem>> -> memref<128x128xf32, #tpu.memory_space<vmem>>
    %dma_wait3A_181 = arith.constant 0 : i32
    %dma_wait3A_182 = tpu.memref_slice %arg4[%add3A_162, %dma_wait3A_181] : memref<16384x128xf32, #tpu.memory_space<hbm>> -> memref<128x128xf32, #tpu.memory_space<hbm>>
    %dma_wait3A_183 = arith.constant 0 : i32
    %dma_wait3A_184 = tpu.memref_slice %arg4[%add3A_162, %dma_wait3A_183] : memref<16384x128xf32, #tpu.memory_space<hbm>> -> memref<128x128xf32, #tpu.memory_space<hbm>>
    %dma_wait3A_185 = arith.constant 0 : i32
    %dma_wait3A_186 = arith.constant 0 : i32
    %dma_wait3A_187 = tpu.memref_slice %arg8[%dma_wait3A_176, %dma_wait3A_185, %dma_wait3A_186] : memref<7x128x128xf32, #tpu.memory_space<vmem>> -> memref<1x128x128xf32, #tpu.memory_space<vmem>>
    %dma_wait3A_188 = tpu.memref_squeeze %dma_wait3A_187 : memref<1x128x128xf32, #tpu.memory_space<vmem>> -> memref<128x128xf32, #tpu.memory_space<vmem>>
    tpu.wait_dma2 semaphore(%arg10 : memref<!tpu.dma_semaphore, #tpu.memory_space<semaphore_mem>>) src(%dma_wait3A_188 : memref<128x128xf32, #tpu.memory_space<vmem>>) dst(%dma_wait3A_184 : memref<128x128xf32, #tpu.memory_space<hbm>>)
    %dma_start3A_189 = arith.constant 0 : i32
    %dma_start3A_190 = arith.constant 2 : i32
    %dma_start3A_191 = arith.constant 1 : i32
    %dma_start3A_192 = arith.constant 0 : i32
    %dma_start3A_193 = arith.constant 0 : i32
    %dma_start3A_194 = tpu.memref_slice %arg8[%dma_start3A_191, %dma_start3A_192, %dma_start3A_193] : memref<7x128x128xf32, #tpu.memory_space<vmem>> -> memref<1x128x128xf32, #tpu.memory_space<vmem>>
    %dma_start3A_195 = tpu.memref_squeeze %dma_start3A_194 : memref<1x128x128xf32, #tpu.memory_space<vmem>> -> memref<128x128xf32, #tpu.memory_space<vmem>>
    %dma_start3A_196 = arith.constant 0 : i32
    %dma_start3A_197 = tpu.memref_slice %arg7[%dma_start3A_189, %dma_start3A_190, %dma_start3A_196] : memref<4x3x128xi32, #tpu.memory_space<vmem>> -> memref<1x1x128xi32, #tpu.memory_space<vmem>>
    %dma_start3A_198 = tpu.memref_squeeze %dma_start3A_197 : memref<1x1x128xi32, #tpu.memory_space<vmem>> -> memref<128xi32, #tpu.memory_space<vmem>>
    %dma_start3A_199 = arith.constant 0 : i32
    %dma_start3A_200 = arith.constant 0 : i32
    %dma_start3A_201 = tpu.memref_slice %arg3[%dma_start3A_199, %dma_start3A_200] : memref<3048x128xf32, #tpu.memory_space<hbm>> -> memref<3048x128xf32, #tpu.memory_space<hbm>>
    tpu.enqueue_indirect_dma source(%dma_start3A_201 : memref<3048x128xf32, #tpu.memory_space<hbm>>) target(%dma_start3A_195 : memref<128x128xf32, #tpu.memory_space<vmem>>) offsets(%dma_start3A_198 : memref<128xi32, #tpu.memory_space<vmem>>) semaphore(%arg9 : memref<!tpu.dma_semaphore, #tpu.memory_space<semaphore_mem>>)
    %dma_wait3A_202 = arith.constant 2 : i32
    %dma_wait3A_203 = arith.constant 0 : i32
    %dma_wait3A_204 = arith.constant 2 : i32
    %dma_wait3A_205 = arith.constant 0 : i32
    %dma_wait3A_206 = arith.constant 0 : i32
    %dma_wait3A_207 = tpu.memref_slice %arg8[%dma_wait3A_204, %dma_wait3A_205, %dma_wait3A_206] : memref<7x128x128xf32, #tpu.memory_space<vmem>> -> memref<1x128x128xf32, #tpu.memory_space<vmem>>
    %dma_wait3A_208 = tpu.memref_squeeze %dma_wait3A_207 : memref<1x128x128xf32, #tpu.memory_space<vmem>> -> memref<128x128xf32, #tpu.memory_space<vmem>>
    %dma_wait3A_209 = arith.constant 0 : i32
    %dma_wait3A_210 = tpu.memref_slice %arg7[%dma_wait3A_202, %dma_wait3A_203, %dma_wait3A_209] : memref<4x3x128xi32, #tpu.memory_space<vmem>> -> memref<1x1x128xi32, #tpu.memory_space<vmem>>
    %dma_wait3A_211 = tpu.memref_squeeze %dma_wait3A_210 : memref<1x1x128xi32, #tpu.memory_space<vmem>> -> memref<128xi32, #tpu.memory_space<vmem>>
    %dma_wait3A_212 = arith.constant 0 : i32
    %dma_wait3A_213 = arith.constant 0 : i32
    %dma_wait3A_214 = tpu.memref_slice %arg3[%dma_wait3A_212, %dma_wait3A_213] : memref<3048x128xf32, #tpu.memory_space<hbm>> -> memref<3048x128xf32, #tpu.memory_space<hbm>>
    tpu.wait_indirect_dma semaphore(%arg9 : memref<!tpu.dma_semaphore, #tpu.memory_space<semaphore_mem>>) src(%dma_wait3A_214 : memref<3048x128xf32, #tpu.memory_space<hbm>>) dst(%dma_wait3A_208 : memref<128x128xf32, #tpu.memory_space<vmem>>)
    %add3A_215 = arith.constant 256 : i32
    %add3A_216 = arith.addi %mul3A_2, %add3A_215 : i32
    %dma_start3A_217 = arith.constant 2 : i32
    %dma_start3A_218 = arith.constant 0 : i32
    %dma_start3A_219 = arith.constant 0 : i32
    %dma_start3A_220 = tpu.memref_slice %arg8[%dma_start3A_217, %dma_start3A_218, %dma_start3A_219] : memref<7x128x128xf32, #tpu.memory_space<vmem>> -> memref<1x128x128xf32, #tpu.memory_space<vmem>>
    %dma_start3A_221 = tpu.memref_squeeze %dma_start3A_220 : memref<1x128x128xf32, #tpu.memory_space<vmem>> -> memref<128x128xf32, #tpu.memory_space<vmem>>
    %dma_start3A_222 = arith.constant 0 : i32
    %dma_start3A_223 = tpu.memref_slice %arg4[%add3A_216, %dma_start3A_222] : memref<16384x128xf32, #tpu.memory_space<hbm>> -> memref<128x128xf32, #tpu.memory_space<hbm>>
    %dma_start3A_224 = arith.constant 0 : i32
    %dma_start3A_225 = tpu.memref_slice %arg4[%add3A_216, %dma_start3A_224] : memref<16384x128xf32, #tpu.memory_space<hbm>> -> memref<128x128xf32, #tpu.memory_space<hbm>>
    %dma_start3A_226 = arith.constant 0 : i32
    %dma_start3A_227 = arith.constant 0 : i32
    %dma_start3A_228 = tpu.memref_slice %arg8[%dma_start3A_217, %dma_start3A_226, %dma_start3A_227] : memref<7x128x128xf32, #tpu.memory_space<vmem>> -> memref<1x128x128xf32, #tpu.memory_space<vmem>>
    %dma_start3A_229 = tpu.memref_squeeze %dma_start3A_228 : memref<1x128x128xf32, #tpu.memory_space<vmem>> -> memref<128x128xf32, #tpu.memory_space<vmem>>
    tpu.enqueue_dma source(%dma_start3A_229 : memref<128x128xf32, #tpu.memory_space<vmem>>) target(%dma_start3A_225 : memref<128x128xf32, #tpu.memory_space<hbm>>) target_semaphore(%arg10 : memref<!tpu.dma_semaphore, #tpu.memory_space<semaphore_mem>>)
    %dma_wait3A_230 = arith.constant 2 : i32
    %dma_wait3A_231 = arith.constant 0 : i32
    %dma_wait3A_232 = arith.constant 0 : i32
    %dma_wait3A_233 = tpu.memref_slice %arg8[%dma_wait3A_230, %dma_wait3A_231, %dma_wait3A_232] : memref<7x128x128xf32, #tpu.memory_space<vmem>> -> memref<1x128x128xf32, #tpu.memory_space<vmem>>
    %dma_wait3A_234 = tpu.memref_squeeze %dma_wait3A_233 : memref<1x128x128xf32, #tpu.memory_space<vmem>> -> memref<128x128xf32, #tpu.memory_space<vmem>>
    %dma_wait3A_235 = arith.constant 0 : i32
    %dma_wait3A_236 = tpu.memref_slice %arg4[%add3A_216, %dma_wait3A_235] : memref<16384x128xf32, #tpu.memory_space<hbm>> -> memref<128x128xf32, #tpu.memory_space<hbm>>
    %dma_wait3A_237 = arith.constant 0 : i32
    %dma_wait3A_238 = tpu.memref_slice %arg4[%add3A_216, %dma_wait3A_237] : memref<16384x128xf32, #tpu.memory_space<hbm>> -> memref<128x128xf32, #tpu.memory_space<hbm>>
    %dma_wait3A_239 = arith.constant 0 : i32
    %dma_wait3A_240 = arith.constant 0 : i32
    %dma_wait3A_241 = tpu.memref_slice %arg8[%dma_wait3A_230, %dma_wait3A_239, %dma_wait3A_240] : memref<7x128x128xf32, #tpu.memory_space<vmem>> -> memref<1x128x128xf32, #tpu.memory_space<vmem>>
    %dma_wait3A_242 = tpu.memref_squeeze %dma_wait3A_241 : memref<1x128x128xf32, #tpu.memory_space<vmem>> -> memref<128x128xf32, #tpu.memory_space<vmem>>
    tpu.wait_dma2 semaphore(%arg10 : memref<!tpu.dma_semaphore, #tpu.memory_space<semaphore_mem>>) src(%dma_wait3A_242 : memref<128x128xf32, #tpu.memory_space<vmem>>) dst(%dma_wait3A_238 : memref<128x128xf32, #tpu.memory_space<hbm>>)
    %dma_start3A_243 = arith.constant 1 : i32
    %dma_start3A_244 = arith.constant 2 : i32
    %dma_start3A_245 = arith.constant 2 : i32
    %dma_start3A_246 = arith.constant 0 : i32
    %dma_start3A_247 = arith.constant 0 : i32
    %dma_start3A_248 = tpu.memref_slice %arg8[%dma_start3A_245, %dma_start3A_246, %dma_start3A_247] : memref<7x128x128xf32, #tpu.memory_space<vmem>> -> memref<1x128x128xf32, #tpu.memory_space<vmem>>
    %dma_start3A_249 = tpu.memref_squeeze %dma_start3A_248 : memref<1x128x128xf32, #tpu.memory_space<vmem>> -> memref<128x128xf32, #tpu.memory_space<vmem>>
    %dma_start3A_250 = arith.constant 0 : i32
    %dma_start3A_251 = tpu.memref_slice %arg7[%dma_start3A_243, %dma_start3A_244, %dma_start3A_250] : memref<4x3x128xi32, #tpu.memory_space<vmem>> -> memref<1x1x128xi32, #tpu.memory_space<vmem>>
    %dma_start3A_252 = tpu.memref_squeeze %dma_start3A_251 : memref<1x1x128xi32, #tpu.memory_space<vmem>> -> memref<128xi32, #tpu.memory_space<vmem>>
    %dma_start3A_253 = arith.constant 0 : i32
    %dma_start3A_254 = arith.constant 0 : i32
    %dma_start3A_255 = tpu.memref_slice %arg3[%dma_start3A_253, %dma_start3A_254] : memref<3048x128xf32, #tpu.memory_space<hbm>> -> memref<3048x128xf32, #tpu.memory_space<hbm>>
    tpu.enqueue_indirect_dma source(%dma_start3A_255 : memref<3048x128xf32, #tpu.memory_space<hbm>>) target(%dma_start3A_249 : memref<128x128xf32, #tpu.memory_space<vmem>>) offsets(%dma_start3A_252 : memref<128xi32, #tpu.memory_space<vmem>>) semaphore(%arg9 : memref<!tpu.dma_semaphore, #tpu.memory_space<semaphore_mem>>)
    %dma_wait3A_256 = arith.constant 3 : i32
    %dma_wait3A_257 = arith.constant 0 : i32
    %dma_wait3A_258 = arith.constant 3 : i32
    %dma_wait3A_259 = arith.constant 0 : i32
    %dma_wait3A_260 = arith.constant 0 : i32
    %dma_wait3A_261 = tpu.memref_slice %arg8[%dma_wait3A_258, %dma_wait3A_259, %dma_wait3A_260] : memref<7x128x128xf32, #tpu.memory_space<vmem>> -> memref<1x128x128xf32, #tpu.memory_space<vmem>>
    %dma_wait3A_262 = tpu.memref_squeeze %dma_wait3A_261 : memref<1x128x128xf32, #tpu.memory_space<vmem>> -> memref<128x128xf32, #tpu.memory_space<vmem>>
    %dma_wait3A_263 = arith.constant 0 : i32
    %dma_wait3A_264 = tpu.memref_slice %arg7[%dma_wait3A_256, %dma_wait3A_257, %dma_wait3A_263] : memref<4x3x128xi32, #tpu.memory_space<vmem>> -> memref<1x1x128xi32, #tpu.memory_space<vmem>>
    %dma_wait3A_265 = tpu.memref_squeeze %dma_wait3A_264 : memref<1x1x128xi32, #tpu.memory_space<vmem>> -> memref<128xi32, #tpu.memory_space<vmem>>
    %dma_wait3A_266 = arith.constant 0 : i32
    %dma_wait3A_267 = arith.constant 0 : i32
    %dma_wait3A_268 = tpu.memref_slice %arg3[%dma_wait3A_266, %dma_wait3A_267] : memref<3048x128xf32, #tpu.memory_space<hbm>> -> memref<3048x128xf32, #tpu.memory_space<hbm>>
    tpu.wait_indirect_dma semaphore(%arg9 : memref<!tpu.dma_semaphore, #tpu.memory_space<semaphore_mem>>) src(%dma_wait3A_268 : memref<3048x128xf32, #tpu.memory_space<hbm>>) dst(%dma_wait3A_262 : memref<128x128xf32, #tpu.memory_space<vmem>>)
    %add3A_269 = arith.constant 384 : i32
    %add3A_270 = arith.addi %mul3A_2, %add3A_269 : i32
    %dma_start3A_271 = arith.constant 3 : i32
    %dma_start3A_272 = arith.constant 0 : i32
    %dma_start3A_273 = arith.constant 0 : i32
    %dma_start3A_274 = tpu.memref_slice %arg8[%dma_start3A_271, %dma_start3A_272, %dma_start3A_273] : memref<7x128x128xf32, #tpu.memory_space<vmem>> -> memref<1x128x128xf32, #tpu.memory_space<vmem>>
    %dma_start3A_275 = tpu.memref_squeeze %dma_start3A_274 : memref<1x128x128xf32, #tpu.memory_space<vmem>> -> memref<128x128xf32, #tpu.memory_space<vmem>>
    %dma_start3A_276 = arith.constant 0 : i32
    %dma_start3A_277 = tpu.memref_slice %arg4[%add3A_270, %dma_start3A_276] : memref<16384x128xf32, #tpu.memory_space<hbm>> -> memref<128x128xf32, #tpu.memory_space<hbm>>
    %dma_start3A_278 = arith.constant 0 : i32
    %dma_start3A_279 = tpu.memref_slice %arg4[%add3A_270, %dma_start3A_278] : memref<16384x128xf32, #tpu.memory_space<hbm>> -> memref<128x128xf32, #tpu.memory_space<hbm>>
    %dma_start3A_280 = arith.constant 0 : i32
    %dma_start3A_281 = arith.constant 0 : i32
    %dma_start3A_282 = tpu.memref_slice %arg8[%dma_start3A_271, %dma_start3A_280, %dma_start3A_281] : memref<7x128x128xf32, #tpu.memory_space<vmem>> -> memref<1x128x128xf32, #tpu.memory_space<vmem>>
    %dma_start3A_283 = tpu.memref_squeeze %dma_start3A_282 : memref<1x128x128xf32, #tpu.memory_space<vmem>> -> memref<128x128xf32, #tpu.memory_space<vmem>>
    tpu.enqueue_dma source(%dma_start3A_283 : memref<128x128xf32, #tpu.memory_space<vmem>>) target(%dma_start3A_279 : memref<128x128xf32, #tpu.memory_space<hbm>>) target_semaphore(%arg10 : memref<!tpu.dma_semaphore, #tpu.memory_space<semaphore_mem>>)
    %dma_wait3A_284 = arith.constant 3 : i32
    %dma_wait3A_285 = arith.constant 0 : i32
    %dma_wait3A_286 = arith.constant 0 : i32
    %dma_wait3A_287 = tpu.memref_slice %arg8[%dma_wait3A_284, %dma_wait3A_285, %dma_wait3A_286] : memref<7x128x128xf32, #tpu.memory_space<vmem>> -> memref<1x128x128xf32, #tpu.memory_space<vmem>>
    %dma_wait3A_288 = tpu.memref_squeeze %dma_wait3A_287 : memref<1x128x128xf32, #tpu.memory_space<vmem>> -> memref<128x128xf32, #tpu.memory_space<vmem>>
    %dma_wait3A_289 = arith.constant 0 : i32
    %dma_wait3A_290 = tpu.memref_slice %arg4[%add3A_270, %dma_wait3A_289] : memref<16384x128xf32, #tpu.memory_space<hbm>> -> memref<128x128xf32, #tpu.memory_space<hbm>>
    %dma_wait3A_291 = arith.constant 0 : i32
    %dma_wait3A_292 = tpu.memref_slice %arg4[%add3A_270, %dma_wait3A_291] : memref<16384x128xf32, #tpu.memory_space<hbm>> -> memref<128x128xf32, #tpu.memory_space<hbm>>
    %dma_wait3A_293 = arith.constant 0 : i32
    %dma_wait3A_294 = arith.constant 0 : i32
    %dma_wait3A_295 = tpu.memref_slice %arg8[%dma_wait3A_284, %dma_wait3A_293, %dma_wait3A_294] : memref<7x128x128xf32, #tpu.memory_space<vmem>> -> memref<1x128x128xf32, #tpu.memory_space<vmem>>
    %dma_wait3A_296 = tpu.memref_squeeze %dma_wait3A_295 : memref<1x128x128xf32, #tpu.memory_space<vmem>> -> memref<128x128xf32, #tpu.memory_space<vmem>>
    tpu.wait_dma2 semaphore(%arg10 : memref<!tpu.dma_semaphore, #tpu.memory_space<semaphore_mem>>) src(%dma_wait3A_296 : memref<128x128xf32, #tpu.memory_space<vmem>>) dst(%dma_wait3A_292 : memref<128x128xf32, #tpu.memory_space<hbm>>)
    %dma_start3A_297 = arith.constant 2 : i32
    %dma_start3A_298 = arith.constant 2 : i32
    %dma_start3A_299 = arith.constant 3 : i32
    %dma_start3A_300 = arith.constant 0 : i32
    %dma_start3A_301 = arith.constant 0 : i32
    %dma_start3A_302 = tpu.memref_slice %arg8[%dma_start3A_299, %dma_start3A_300, %dma_start3A_301] : memref<7x128x128xf32, #tpu.memory_space<vmem>> -> memref<1x128x128xf32, #tpu.memory_space<vmem>>
    %dma_start3A_303 = tpu.memref_squeeze %dma_start3A_302 : memref<1x128x128xf32, #tpu.memory_space<vmem>> -> memref<128x128xf32, #tpu.memory_space<vmem>>
    %dma_start3A_304 = arith.constant 0 : i32
    %dma_start3A_305 = tpu.memref_slice %arg7[%dma_start3A_297, %dma_start3A_298, %dma_start3A_304] : memref<4x3x128xi32, #tpu.memory_space<vmem>> -> memref<1x1x128xi32, #tpu.memory_space<vmem>>
    %dma_start3A_306 = tpu.memref_squeeze %dma_start3A_305 : memref<1x1x128xi32, #tpu.memory_space<vmem>> -> memref<128xi32, #tpu.memory_space<vmem>>
    %dma_start3A_307 = arith.constant 0 : i32
    %dma_start3A_308 = arith.constant 0 : i32
    %dma_start3A_309 = tpu.memref_slice %arg3[%dma_start3A_307, %dma_start3A_308] : memref<3048x128xf32, #tpu.memory_space<hbm>> -> memref<3048x128xf32, #tpu.memory_space<hbm>>
    tpu.enqueue_indirect_dma source(%dma_start3A_309 : memref<3048x128xf32, #tpu.memory_space<hbm>>) target(%dma_start3A_303 : memref<128x128xf32, #tpu.memory_space<vmem>>) offsets(%dma_start3A_306 : memref<128xi32, #tpu.memory_space<vmem>>) semaphore(%arg9 : memref<!tpu.dma_semaphore, #tpu.memory_space<semaphore_mem>>)
    %dma_wait3A_310 = arith.constant 0 : i32
    %dma_wait3A_311 = arith.constant 1 : i32
    %dma_wait3A_312 = arith.constant 4 : i32
    %dma_wait3A_313 = arith.constant 0 : i32
    %dma_wait3A_314 = arith.constant 0 : i32
    %dma_wait3A_315 = tpu.memref_slice %arg8[%dma_wait3A_312, %dma_wait3A_313, %dma_wait3A_314] : memref<7x128x128xf32, #tpu.memory_space<vmem>> -> memref<1x128x128xf32, #tpu.memory_space<vmem>>
    %dma_wait3A_316 = tpu.memref_squeeze %dma_wait3A_315 : memref<1x128x128xf32, #tpu.memory_space<vmem>> -> memref<128x128xf32, #tpu.memory_space<vmem>>
    %dma_wait3A_317 = arith.constant 0 : i32
    %dma_wait3A_318 = tpu.memref_slice %arg7[%dma_wait3A_310, %dma_wait3A_311, %dma_wait3A_317] : memref<4x3x128xi32, #tpu.memory_space<vmem>> -> memref<1x1x128xi32, #tpu.memory_space<vmem>>
    %dma_wait3A_319 = tpu.memref_squeeze %dma_wait3A_318 : memref<1x1x128xi32, #tpu.memory_space<vmem>> -> memref<128xi32, #tpu.memory_space<vmem>>
    %dma_wait3A_320 = arith.constant 0 : i32
    %dma_wait3A_321 = arith.constant 0 : i32
    %dma_wait3A_322 = tpu.memref_slice %arg3[%dma_wait3A_320, %dma_wait3A_321] : memref<3048x128xf32, #tpu.memory_space<hbm>> -> memref<3048x128xf32, #tpu.memory_space<hbm>>
    tpu.wait_indirect_dma semaphore(%arg9 : memref<!tpu.dma_semaphore, #tpu.memory_space<semaphore_mem>>) src(%dma_wait3A_322 : memref<3048x128xf32, #tpu.memory_space<hbm>>) dst(%dma_wait3A_316 : memref<128x128xf32, #tpu.memory_space<vmem>>)
    %add3A_323 = arith.constant 0 : i32
    %add3A_324 = arith.addi %mul3A_2, %add3A_323 : i32
    %dma_start3A_325 = arith.constant 4 : i32
    %dma_start3A_326 = arith.constant 0 : i32
    %dma_start3A_327 = arith.constant 0 : i32
    %dma_start3A_328 = tpu.memref_slice %arg8[%dma_start3A_325, %dma_start3A_326, %dma_start3A_327] : memref<7x128x128xf32, #tpu.memory_space<vmem>> -> memref<1x128x128xf32, #tpu.memory_space<vmem>>
    %dma_start3A_329 = tpu.memref_squeeze %dma_start3A_328 : memref<1x128x128xf32, #tpu.memory_space<vmem>> -> memref<128x128xf32, #tpu.memory_space<vmem>>
    %dma_start3A_330 = arith.constant 0 : i32
    %dma_start3A_331 = tpu.memref_slice %arg5[%add3A_324, %dma_start3A_330] : memref<16384x128xf32, #tpu.memory_space<hbm>> -> memref<128x128xf32, #tpu.memory_space<hbm>>
    %dma_start3A_332 = arith.constant 0 : i32
    %dma_start3A_333 = tpu.memref_slice %arg5[%add3A_324, %dma_start3A_332] : memref<16384x128xf32, #tpu.memory_space<hbm>> -> memref<128x128xf32, #tpu.memory_space<hbm>>
    %dma_start3A_334 = arith.constant 0 : i32
    %dma_start3A_335 = arith.constant 0 : i32
    %dma_start3A_336 = tpu.memref_slice %arg8[%dma_start3A_325, %dma_start3A_334, %dma_start3A_335] : memref<7x128x128xf32, #tpu.memory_space<vmem>> -> memref<1x128x128xf32, #tpu.memory_space<vmem>>
    %dma_start3A_337 = tpu.memref_squeeze %dma_start3A_336 : memref<1x128x128xf32, #tpu.memory_space<vmem>> -> memref<128x128xf32, #tpu.memory_space<vmem>>
    tpu.enqueue_dma source(%dma_start3A_337 : memref<128x128xf32, #tpu.memory_space<vmem>>) target(%dma_start3A_333 : memref<128x128xf32, #tpu.memory_space<hbm>>) target_semaphore(%arg10 : memref<!tpu.dma_semaphore, #tpu.memory_space<semaphore_mem>>)
    %dma_wait3A_338 = arith.constant 4 : i32
    %dma_wait3A_339 = arith.constant 0 : i32
    %dma_wait3A_340 = arith.constant 0 : i32
    %dma_wait3A_341 = tpu.memref_slice %arg8[%dma_wait3A_338, %dma_wait3A_339, %dma_wait3A_340] : memref<7x128x128xf32, #tpu.memory_space<vmem>> -> memref<1x128x128xf32, #tpu.memory_space<vmem>>
    %dma_wait3A_342 = tpu.memref_squeeze %dma_wait3A_341 : memref<1x128x128xf32, #tpu.memory_space<vmem>> -> memref<128x128xf32, #tpu.memory_space<vmem>>
    %dma_wait3A_343 = arith.constant 0 : i32
    %dma_wait3A_344 = tpu.memref_slice %arg5[%add3A_324, %dma_wait3A_343] : memref<16384x128xf32, #tpu.memory_space<hbm>> -> memref<128x128xf32, #tpu.memory_space<hbm>>
    %dma_wait3A_345 = arith.constant 0 : i32
    %dma_wait3A_346 = tpu.memref_slice %arg5[%add3A_324, %dma_wait3A_345] : memref<16384x128xf32, #tpu.memory_space<hbm>> -> memref<128x128xf32, #tpu.memory_space<hbm>>
    %dma_wait3A_347 = arith.constant 0 : i32
    %dma_wait3A_348 = arith.constant 0 : i32
    %dma_wait3A_349 = tpu.memref_slice %arg8[%dma_wait3A_338, %dma_wait3A_347, %dma_wait3A_348] : memref<7x128x128xf32, #tpu.memory_space<vmem>> -> memref<1x128x128xf32, #tpu.memory_space<vmem>>
    %dma_wait3A_350 = tpu.memref_squeeze %dma_wait3A_349 : memref<1x128x128xf32, #tpu.memory_space<vmem>> -> memref<128x128xf32, #tpu.memory_space<vmem>>
    tpu.wait_dma2 semaphore(%arg10 : memref<!tpu.dma_semaphore, #tpu.memory_space<semaphore_mem>>) src(%dma_wait3A_350 : memref<128x128xf32, #tpu.memory_space<vmem>>) dst(%dma_wait3A_346 : memref<128x128xf32, #tpu.memory_space<hbm>>)
    %dma_start3A_351 = arith.constant 3 : i32
    %dma_start3A_352 = arith.constant 2 : i32
    %dma_start3A_353 = arith.constant 4 : i32
    %dma_start3A_354 = arith.constant 0 : i32
    %dma_start3A_355 = arith.constant 0 : i32
    %dma_start3A_356 = tpu.memref_slice %arg8[%dma_start3A_353, %dma_start3A_354, %dma_start3A_355] : memref<7x128x128xf32, #tpu.memory_space<vmem>> -> memref<1x128x128xf32, #tpu.memory_space<vmem>>
    %dma_start3A_357 = tpu.memref_squeeze %dma_start3A_356 : memref<1x128x128xf32, #tpu.memory_space<vmem>> -> memref<128x128xf32, #tpu.memory_space<vmem>>
    %dma_start3A_358 = arith.constant 0 : i32
    %dma_start3A_359 = tpu.memref_slice %arg7[%dma_start3A_351, %dma_start3A_352, %dma_start3A_358] : memref<4x3x128xi32, #tpu.memory_space<vmem>> -> memref<1x1x128xi32, #tpu.memory_space<vmem>>
    %dma_start3A_360 = tpu.memref_squeeze %dma_start3A_359 : memref<1x1x128xi32, #tpu.memory_space<vmem>> -> memref<128xi32, #tpu.memory_space<vmem>>
    %dma_start3A_361 = arith.constant 0 : i32
    %dma_start3A_362 = arith.constant 0 : i32
    %dma_start3A_363 = tpu.memref_slice %arg3[%dma_start3A_361, %dma_start3A_362] : memref<3048x128xf32, #tpu.memory_space<hbm>> -> memref<3048x128xf32, #tpu.memory_space<hbm>>
    tpu.enqueue_indirect_dma source(%dma_start3A_363 : memref<3048x128xf32, #tpu.memory_space<hbm>>) target(%dma_start3A_357 : memref<128x128xf32, #tpu.memory_space<vmem>>) offsets(%dma_start3A_360 : memref<128xi32, #tpu.memory_space<vmem>>) semaphore(%arg9 : memref<!tpu.dma_semaphore, #tpu.memory_space<semaphore_mem>>)
    %dma_wait3A_364 = arith.constant 1 : i32
    %dma_wait3A_365 = arith.constant 1 : i32
    %dma_wait3A_366 = arith.constant 5 : i32
    %dma_wait3A_367 = arith.constant 0 : i32
    %dma_wait3A_368 = arith.constant 0 : i32
    %dma_wait3A_369 = tpu.memref_slice %arg8[%dma_wait3A_366, %dma_wait3A_367, %dma_wait3A_368] : memref<7x128x128xf32, #tpu.memory_space<vmem>> -> memref<1x128x128xf32, #tpu.memory_space<vmem>>
    %dma_wait3A_370 = tpu.memref_squeeze %dma_wait3A_369 : memref<1x128x128xf32, #tpu.memory_space<vmem>> -> memref<128x128xf32, #tpu.memory_space<vmem>>
    %dma_wait3A_371 = arith.constant 0 : i32
    %dma_wait3A_372 = tpu.memref_slice %arg7[%dma_wait3A_364, %dma_wait3A_365, %dma_wait3A_371] : memref<4x3x128xi32, #tpu.memory_space<vmem>> -> memref<1x1x128xi32, #tpu.memory_space<vmem>>
    %dma_wait3A_373 = tpu.memref_squeeze %dma_wait3A_372 : memref<1x1x128xi32, #tpu.memory_space<vmem>> -> memref<128xi32, #tpu.memory_space<vmem>>
    %dma_wait3A_374 = arith.constant 0 : i32
    %dma_wait3A_375 = arith.constant 0 : i32
    %dma_wait3A_376 = tpu.memref_slice %arg3[%dma_wait3A_374, %dma_wait3A_375] : memref<3048x128xf32, #tpu.memory_space<hbm>> -> memref<3048x128xf32, #tpu.memory_space<hbm>>
    tpu.wait_indirect_dma semaphore(%arg9 : memref<!tpu.dma_semaphore, #tpu.memory_space<semaphore_mem>>) src(%dma_wait3A_376 : memref<3048x128xf32, #tpu.memory_space<hbm>>) dst(%dma_wait3A_370 : memref<128x128xf32, #tpu.memory_space<vmem>>)
    %add3A_377 = arith.constant 128 : i32
    %add3A_378 = arith.addi %mul3A_2, %add3A_377 : i32
    %dma_start3A_379 = arith.constant 5 : i32
    %dma_start3A_380 = arith.constant 0 : i32
    %dma_start3A_381 = arith.constant 0 : i32
    %dma_start3A_382 = tpu.memref_slice %arg8[%dma_start3A_379, %dma_start3A_380, %dma_start3A_381] : memref<7x128x128xf32, #tpu.memory_space<vmem>> -> memref<1x128x128xf32, #tpu.memory_space<vmem>>
    %dma_start3A_383 = tpu.memref_squeeze %dma_start3A_382 : memref<1x128x128xf32, #tpu.memory_space<vmem>> -> memref<128x128xf32, #tpu.memory_space<vmem>>
    %dma_start3A_384 = arith.constant 0 : i32
    %dma_start3A_385 = tpu.memref_slice %arg5[%add3A_378, %dma_start3A_384] : memref<16384x128xf32, #tpu.memory_space<hbm>> -> memref<128x128xf32, #tpu.memory_space<hbm>>
    %dma_start3A_386 = arith.constant 0 : i32
    %dma_start3A_387 = tpu.memref_slice %arg5[%add3A_378, %dma_start3A_386] : memref<16384x128xf32, #tpu.memory_space<hbm>> -> memref<128x128xf32, #tpu.memory_space<hbm>>
    %dma_start3A_388 = arith.constant 0 : i32
    %dma_start3A_389 = arith.constant 0 : i32
    %dma_start3A_390 = tpu.memref_slice %arg8[%dma_start3A_379, %dma_start3A_388, %dma_start3A_389] : memref<7x128x128xf32, #tpu.memory_space<vmem>> -> memref<1x128x128xf32, #tpu.memory_space<vmem>>
    %dma_start3A_391 = tpu.memref_squeeze %dma_start3A_390 : memref<1x128x128xf32, #tpu.memory_space<vmem>> -> memref<128x128xf32, #tpu.memory_space<vmem>>
    tpu.enqueue_dma source(%dma_start3A_391 : memref<128x128xf32, #tpu.memory_space<vmem>>) target(%dma_start3A_387 : memref<128x128xf32, #tpu.memory_space<hbm>>) target_semaphore(%arg10 : memref<!tpu.dma_semaphore, #tpu.memory_space<semaphore_mem>>)
    %dma_wait3A_392 = arith.constant 2 : i32
    %dma_wait3A_393 = arith.constant 1 : i32
    %dma_wait3A_394 = arith.constant 6 : i32
    %dma_wait3A_395 = arith.constant 0 : i32
    %dma_wait3A_396 = arith.constant 0 : i32
    %dma_wait3A_397 = tpu.memref_slice %arg8[%dma_wait3A_394, %dma_wait3A_395, %dma_wait3A_396] : memref<7x128x128xf32, #tpu.memory_space<vmem>> -> memref<1x128x128xf32, #tpu.memory_space<vmem>>
    %dma_wait3A_398 = tpu.memref_squeeze %dma_wait3A_397 : memref<1x128x128xf32, #tpu.memory_space<vmem>> -> memref<128x128xf32, #tpu.memory_space<vmem>>
    %dma_wait3A_399 = arith.constant 0 : i32
    %dma_wait3A_400 = tpu.memref_slice %arg7[%dma_wait3A_392, %dma_wait3A_393, %dma_wait3A_399] : memref<4x3x128xi32, #tpu.memory_space<vmem>> -> memref<1x1x128xi32, #tpu.memory_space<vmem>>
    %dma_wait3A_401 = tpu.memref_squeeze %dma_wait3A_400 : memref<1x1x128xi32, #tpu.memory_space<vmem>> -> memref<128xi32, #tpu.memory_space<vmem>>
    %dma_wait3A_402 = arith.constant 0 : i32
    %dma_wait3A_403 = arith.constant 0 : i32
    %dma_wait3A_404 = tpu.memref_slice %arg3[%dma_wait3A_402, %dma_wait3A_403] : memref<3048x128xf32, #tpu.memory_space<hbm>> -> memref<3048x128xf32, #tpu.memory_space<hbm>>
    tpu.wait_indirect_dma semaphore(%arg9 : memref<!tpu.dma_semaphore, #tpu.memory_space<semaphore_mem>>) src(%dma_wait3A_404 : memref<3048x128xf32, #tpu.memory_space<hbm>>) dst(%dma_wait3A_398 : memref<128x128xf32, #tpu.memory_space<vmem>>)
    %add3A_405 = arith.constant 256 : i32
    %add3A_406 = arith.addi %mul3A_2, %add3A_405 : i32
    %dma_start3A_407 = arith.constant 6 : i32
    %dma_start3A_408 = arith.constant 0 : i32
    %dma_start3A_409 = arith.constant 0 : i32
    %dma_start3A_410 = tpu.memref_slice %arg8[%dma_start3A_407, %dma_start3A_408, %dma_start3A_409] : memref<7x128x128xf32, #tpu.memory_space<vmem>> -> memref<1x128x128xf32, #tpu.memory_space<vmem>>
    %dma_start3A_411 = tpu.memref_squeeze %dma_start3A_410 : memref<1x128x128xf32, #tpu.memory_space<vmem>> -> memref<128x128xf32, #tpu.memory_space<vmem>>
    %dma_start3A_412 = arith.constant 0 : i32
    %dma_start3A_413 = tpu.memref_slice %arg5[%add3A_406, %dma_start3A_412] : memref<16384x128xf32, #tpu.memory_space<hbm>> -> memref<128x128xf32, #tpu.memory_space<hbm>>
    %dma_start3A_414 = arith.constant 0 : i32
    %dma_start3A_415 = tpu.memref_slice %arg5[%add3A_406, %dma_start3A_414] : memref<16384x128xf32, #tpu.memory_space<hbm>> -> memref<128x128xf32, #tpu.memory_space<hbm>>
    %dma_start3A_416 = arith.constant 0 : i32
    %dma_start3A_417 = arith.constant 0 : i32
    %dma_start3A_418 = tpu.memref_slice %arg8[%dma_start3A_407, %dma_start3A_416, %dma_start3A_417] : memref<7x128x128xf32, #tpu.memory_space<vmem>> -> memref<1x128x128xf32, #tpu.memory_space<vmem>>
    %dma_start3A_419 = tpu.memref_squeeze %dma_start3A_418 : memref<1x128x128xf32, #tpu.memory_space<vmem>> -> memref<128x128xf32, #tpu.memory_space<vmem>>
    tpu.enqueue_dma source(%dma_start3A_419 : memref<128x128xf32, #tpu.memory_space<vmem>>) target(%dma_start3A_415 : memref<128x128xf32, #tpu.memory_space<hbm>>) target_semaphore(%arg10 : memref<!tpu.dma_semaphore, #tpu.memory_space<semaphore_mem>>)
    %dma_wait3A_420 = arith.constant 3 : i32
    %dma_wait3A_421 = arith.constant 1 : i32
    %dma_wait3A_422 = arith.constant 0 : i32
    %dma_wait3A_423 = arith.constant 0 : i32
    %dma_wait3A_424 = arith.constant 0 : i32
    %dma_wait3A_425 = tpu.memref_slice %arg8[%dma_wait3A_422, %dma_wait3A_423, %dma_wait3A_424] : memref<7x128x128xf32, #tpu.memory_space<vmem>> -> memref<1x128x128xf32, #tpu.memory_space<vmem>>
    %dma_wait3A_426 = tpu.memref_squeeze %dma_wait3A_425 : memref<1x128x128xf32, #tpu.memory_space<vmem>> -> memref<128x128xf32, #tpu.memory_space<vmem>>
    %dma_wait3A_427 = arith.constant 0 : i32
    %dma_wait3A_428 = tpu.memref_slice %arg7[%dma_wait3A_420, %dma_wait3A_421, %dma_wait3A_427] : memref<4x3x128xi32, #tpu.memory_space<vmem>> -> memref<1x1x128xi32, #tpu.memory_space<vmem>>
    %dma_wait3A_429 = tpu.memref_squeeze %dma_wait3A_428 : memref<1x1x128xi32, #tpu.memory_space<vmem>> -> memref<128xi32, #tpu.memory_space<vmem>>
    %dma_wait3A_430 = arith.constant 0 : i32
    %dma_wait3A_431 = arith.constant 0 : i32
    %dma_wait3A_432 = tpu.memref_slice %arg3[%dma_wait3A_430, %dma_wait3A_431] : memref<3048x128xf32, #tpu.memory_space<hbm>> -> memref<3048x128xf32, #tpu.memory_space<hbm>>
    tpu.wait_indirect_dma semaphore(%arg9 : memref<!tpu.dma_semaphore, #tpu.memory_space<semaphore_mem>>) src(%dma_wait3A_432 : memref<3048x128xf32, #tpu.memory_space<hbm>>) dst(%dma_wait3A_426 : memref<128x128xf32, #tpu.memory_space<vmem>>)
    %add3A_433 = arith.constant 384 : i32
    %add3A_434 = arith.addi %mul3A_2, %add3A_433 : i32
    %dma_start3A_435 = arith.constant 0 : i32
    %dma_start3A_436 = arith.constant 0 : i32
    %dma_start3A_437 = arith.constant 0 : i32
    %dma_start3A_438 = tpu.memref_slice %arg8[%dma_start3A_435, %dma_start3A_436, %dma_start3A_437] : memref<7x128x128xf32, #tpu.memory_space<vmem>> -> memref<1x128x128xf32, #tpu.memory_space<vmem>>
    %dma_start3A_439 = tpu.memref_squeeze %dma_start3A_438 : memref<1x128x128xf32, #tpu.memory_space<vmem>> -> memref<128x128xf32, #tpu.memory_space<vmem>>
    %dma_start3A_440 = arith.constant 0 : i32
    %dma_start3A_441 = tpu.memref_slice %arg5[%add3A_434, %dma_start3A_440] : memref<16384x128xf32, #tpu.memory_space<hbm>> -> memref<128x128xf32, #tpu.memory_space<hbm>>
    %dma_start3A_442 = arith.constant 0 : i32
    %dma_start3A_443 = tpu.memref_slice %arg5[%add3A_434, %dma_start3A_442] : memref<16384x128xf32, #tpu.memory_space<hbm>> -> memref<128x128xf32, #tpu.memory_space<hbm>>
    %dma_start3A_444 = arith.constant 0 : i32
    %dma_start3A_445 = arith.constant 0 : i32
    %dma_start3A_446 = tpu.memref_slice %arg8[%dma_start3A_435, %dma_start3A_444, %dma_start3A_445] : memref<7x128x128xf32, #tpu.memory_space<vmem>> -> memref<1x128x128xf32, #tpu.memory_space<vmem>>
    %dma_start3A_447 = tpu.memref_squeeze %dma_start3A_446 : memref<1x128x128xf32, #tpu.memory_space<vmem>> -> memref<128x128xf32, #tpu.memory_space<vmem>>
    tpu.enqueue_dma source(%dma_start3A_447 : memref<128x128xf32, #tpu.memory_space<vmem>>) target(%dma_start3A_443 : memref<128x128xf32, #tpu.memory_space<hbm>>) target_semaphore(%arg10 : memref<!tpu.dma_semaphore, #tpu.memory_space<semaphore_mem>>)
    %dma_wait3A_448 = arith.constant 0 : i32
    %dma_wait3A_449 = arith.constant 2 : i32
    %dma_wait3A_450 = arith.constant 1 : i32
    %dma_wait3A_451 = arith.constant 0 : i32
    %dma_wait3A_452 = arith.constant 0 : i32
    %dma_wait3A_453 = tpu.memref_slice %arg8[%dma_wait3A_450, %dma_wait3A_451, %dma_wait3A_452] : memref<7x128x128xf32, #tpu.memory_space<vmem>> -> memref<1x128x128xf32, #tpu.memory_space<vmem>>
    %dma_wait3A_454 = tpu.memref_squeeze %dma_wait3A_453 : memref<1x128x128xf32, #tpu.memory_space<vmem>> -> memref<128x128xf32, #tpu.memory_space<vmem>>
    %dma_wait3A_455 = arith.constant 0 : i32
    %dma_wait3A_456 = tpu.memref_slice %arg7[%dma_wait3A_448, %dma_wait3A_449, %dma_wait3A_455] : memref<4x3x128xi32, #tpu.memory_space<vmem>> -> memref<1x1x128xi32, #tpu.memory_space<vmem>>
    %dma_wait3A_457 = tpu.memref_squeeze %dma_wait3A_456 : memref<1x1x128xi32, #tpu.memory_space<vmem>> -> memref<128xi32, #tpu.memory_space<vmem>>
    %dma_wait3A_458 = arith.constant 0 : i32
    %dma_wait3A_459 = arith.constant 0 : i32
    %dma_wait3A_460 = tpu.memref_slice %arg3[%dma_wait3A_458, %dma_wait3A_459] : memref<3048x128xf32, #tpu.memory_space<hbm>> -> memref<3048x128xf32, #tpu.memory_space<hbm>>
    tpu.wait_indirect_dma semaphore(%arg9 : memref<!tpu.dma_semaphore, #tpu.memory_space<semaphore_mem>>) src(%dma_wait3A_460 : memref<3048x128xf32, #tpu.memory_space<hbm>>) dst(%dma_wait3A_454 : memref<128x128xf32, #tpu.memory_space<vmem>>)
    %add3A_461 = arith.constant 0 : i32
    %add3A_462 = arith.addi %mul3A_2, %add3A_461 : i32
    %dma_start3A_463 = arith.constant 1 : i32
    %dma_start3A_464 = arith.constant 0 : i32
    %dma_start3A_465 = arith.constant 0 : i32
    %dma_start3A_466 = tpu.memref_slice %arg8[%dma_start3A_463, %dma_start3A_464, %dma_start3A_465] : memref<7x128x128xf32, #tpu.memory_space<vmem>> -> memref<1x128x128xf32, #tpu.memory_space<vmem>>
    %dma_start3A_467 = tpu.memref_squeeze %dma_start3A_466 : memref<1x128x128xf32, #tpu.memory_space<vmem>> -> memref<128x128xf32, #tpu.memory_space<vmem>>
    %dma_start3A_468 = arith.constant 0 : i32
    %dma_start3A_469 = tpu.memref_slice %arg6[%add3A_462, %dma_start3A_468] : memref<16384x128xf32, #tpu.memory_space<hbm>> -> memref<128x128xf32, #tpu.memory_space<hbm>>
    %dma_start3A_470 = arith.constant 0 : i32
    %dma_start3A_471 = tpu.memref_slice %arg6[%add3A_462, %dma_start3A_470] : memref<16384x128xf32, #tpu.memory_space<hbm>> -> memref<128x128xf32, #tpu.memory_space<hbm>>
    %dma_start3A_472 = arith.constant 0 : i32
    %dma_start3A_473 = arith.constant 0 : i32
    %dma_start3A_474 = tpu.memref_slice %arg8[%dma_start3A_463, %dma_start3A_472, %dma_start3A_473] : memref<7x128x128xf32, #tpu.memory_space<vmem>> -> memref<1x128x128xf32, #tpu.memory_space<vmem>>
    %dma_start3A_475 = tpu.memref_squeeze %dma_start3A_474 : memref<1x128x128xf32, #tpu.memory_space<vmem>> -> memref<128x128xf32, #tpu.memory_space<vmem>>
    tpu.enqueue_dma source(%dma_start3A_475 : memref<128x128xf32, #tpu.memory_space<vmem>>) target(%dma_start3A_471 : memref<128x128xf32, #tpu.memory_space<hbm>>) target_semaphore(%arg10 : memref<!tpu.dma_semaphore, #tpu.memory_space<semaphore_mem>>)
    %dma_wait3A_476 = arith.constant 1 : i32
    %dma_wait3A_477 = arith.constant 2 : i32
    %dma_wait3A_478 = arith.constant 2 : i32
    %dma_wait3A_479 = arith.constant 0 : i32
    %dma_wait3A_480 = arith.constant 0 : i32
    %dma_wait3A_481 = tpu.memref_slice %arg8[%dma_wait3A_478, %dma_wait3A_479, %dma_wait3A_480] : memref<7x128x128xf32, #tpu.memory_space<vmem>> -> memref<1x128x128xf32, #tpu.memory_space<vmem>>
    %dma_wait3A_482 = tpu.memref_squeeze %dma_wait3A_481 : memref<1x128x128xf32, #tpu.memory_space<vmem>> -> memref<128x128xf32, #tpu.memory_space<vmem>>
    %dma_wait3A_483 = arith.constant 0 : i32
    %dma_wait3A_484 = tpu.memref_slice %arg7[%dma_wait3A_476, %dma_wait3A_477, %dma_wait3A_483] : memref<4x3x128xi32, #tpu.memory_space<vmem>> -> memref<1x1x128xi32, #tpu.memory_space<vmem>>
    %dma_wait3A_485 = tpu.memref_squeeze %dma_wait3A_484 : memref<1x1x128xi32, #tpu.memory_space<vmem>> -> memref<128xi32, #tpu.memory_space<vmem>>
    %dma_wait3A_486 = arith.constant 0 : i32
    %dma_wait3A_487 = arith.constant 0 : i32
    %dma_wait3A_488 = tpu.memref_slice %arg3[%dma_wait3A_486, %dma_wait3A_487] : memref<3048x128xf32, #tpu.memory_space<hbm>> -> memref<3048x128xf32, #tpu.memory_space<hbm>>
    tpu.wait_indirect_dma semaphore(%arg9 : memref<!tpu.dma_semaphore, #tpu.memory_space<semaphore_mem>>) src(%dma_wait3A_488 : memref<3048x128xf32, #tpu.memory_space<hbm>>) dst(%dma_wait3A_482 : memref<128x128xf32, #tpu.memory_space<vmem>>)
    %add3A_489 = arith.constant 128 : i32
    %add3A_490 = arith.addi %mul3A_2, %add3A_489 : i32
    %dma_start3A_491 = arith.constant 2 : i32
    %dma_start3A_492 = arith.constant 0 : i32
    %dma_start3A_493 = arith.constant 0 : i32
    %dma_start3A_494 = tpu.memref_slice %arg8[%dma_start3A_491, %dma_start3A_492, %dma_start3A_493] : memref<7x128x128xf32, #tpu.memory_space<vmem>> -> memref<1x128x128xf32, #tpu.memory_space<vmem>>
    %dma_start3A_495 = tpu.memref_squeeze %dma_start3A_494 : memref<1x128x128xf32, #tpu.memory_space<vmem>> -> memref<128x128xf32, #tpu.memory_space<vmem>>
    %dma_start3A_496 = arith.constant 0 : i32
    %dma_start3A_497 = tpu.memref_slice %arg6[%add3A_490, %dma_start3A_496] : memref<16384x128xf32, #tpu.memory_space<hbm>> -> memref<128x128xf32, #tpu.memory_space<hbm>>
    %dma_start3A_498 = arith.constant 0 : i32
    %dma_start3A_499 = tpu.memref_slice %arg6[%add3A_490, %dma_start3A_498] : memref<16384x128xf32, #tpu.memory_space<hbm>> -> memref<128x128xf32, #tpu.memory_space<hbm>>
    %dma_start3A_500 = arith.constant 0 : i32
    %dma_start3A_501 = arith.constant 0 : i32
    %dma_start3A_502 = tpu.memref_slice %arg8[%dma_start3A_491, %dma_start3A_500, %dma_start3A_501] : memref<7x128x128xf32, #tpu.memory_space<vmem>> -> memref<1x128x128xf32, #tpu.memory_space<vmem>>
    %dma_start3A_503 = tpu.memref_squeeze %dma_start3A_502 : memref<1x128x128xf32, #tpu.memory_space<vmem>> -> memref<128x128xf32, #tpu.memory_space<vmem>>
    tpu.enqueue_dma source(%dma_start3A_503 : memref<128x128xf32, #tpu.memory_space<vmem>>) target(%dma_start3A_499 : memref<128x128xf32, #tpu.memory_space<hbm>>) target_semaphore(%arg10 : memref<!tpu.dma_semaphore, #tpu.memory_space<semaphore_mem>>)
    %dma_wait3A_504 = arith.constant 2 : i32
    %dma_wait3A_505 = arith.constant 2 : i32
    %dma_wait3A_506 = arith.constant 3 : i32
    %dma_wait3A_507 = arith.constant 0 : i32
    %dma_wait3A_508 = arith.constant 0 : i32
    %dma_wait3A_509 = tpu.memref_slice %arg8[%dma_wait3A_506, %dma_wait3A_507, %dma_wait3A_508] : memref<7x128x128xf32, #tpu.memory_space<vmem>> -> memref<1x128x128xf32, #tpu.memory_space<vmem>>
    %dma_wait3A_510 = tpu.memref_squeeze %dma_wait3A_509 : memref<1x128x128xf32, #tpu.memory_space<vmem>> -> memref<128x128xf32, #tpu.memory_space<vmem>>
    %dma_wait3A_511 = arith.constant 0 : i32
    %dma_wait3A_512 = tpu.memref_slice %arg7[%dma_wait3A_504, %dma_wait3A_505, %dma_wait3A_511] : memref<4x3x128xi32, #tpu.memory_space<vmem>> -> memref<1x1x128xi32, #tpu.memory_space<vmem>>
    %dma_wait3A_513 = tpu.memref_squeeze %dma_wait3A_512 : memref<1x1x128xi32, #tpu.memory_space<vmem>> -> memref<128xi32, #tpu.memory_space<vmem>>
    %dma_wait3A_514 = arith.constant 0 : i32
    %dma_wait3A_515 = arith.constant 0 : i32
    %dma_wait3A_516 = tpu.memref_slice %arg3[%dma_wait3A_514, %dma_wait3A_515] : memref<3048x128xf32, #tpu.memory_space<hbm>> -> memref<3048x128xf32, #tpu.memory_space<hbm>>
    tpu.wait_indirect_dma semaphore(%arg9 : memref<!tpu.dma_semaphore, #tpu.memory_space<semaphore_mem>>) src(%dma_wait3A_516 : memref<3048x128xf32, #tpu.memory_space<hbm>>) dst(%dma_wait3A_510 : memref<128x128xf32, #tpu.memory_space<vmem>>)
    %add3A_517 = arith.constant 256 : i32
    %add3A_518 = arith.addi %mul3A_2, %add3A_517 : i32
    %dma_start3A_519 = arith.constant 3 : i32
    %dma_start3A_520 = arith.constant 0 : i32
    %dma_start3A_521 = arith.constant 0 : i32
    %dma_start3A_522 = tpu.memref_slice %arg8[%dma_start3A_519, %dma_start3A_520, %dma_start3A_521] : memref<7x128x128xf32, #tpu.memory_space<vmem>> -> memref<1x128x128xf32, #tpu.memory_space<vmem>>
    %dma_start3A_523 = tpu.memref_squeeze %dma_start3A_522 : memref<1x128x128xf32, #tpu.memory_space<vmem>> -> memref<128x128xf32, #tpu.memory_space<vmem>>
    %dma_start3A_524 = arith.constant 0 : i32
    %dma_start3A_525 = tpu.memref_slice %arg6[%add3A_518, %dma_start3A_524] : memref<16384x128xf32, #tpu.memory_space<hbm>> -> memref<128x128xf32, #tpu.memory_space<hbm>>
    %dma_start3A_526 = arith.constant 0 : i32
    %dma_start3A_527 = tpu.memref_slice %arg6[%add3A_518, %dma_start3A_526] : memref<16384x128xf32, #tpu.memory_space<hbm>> -> memref<128x128xf32, #tpu.memory_space<hbm>>
    %dma_start3A_528 = arith.constant 0 : i32
    %dma_start3A_529 = arith.constant 0 : i32
    %dma_start3A_530 = tpu.memref_slice %arg8[%dma_start3A_519, %dma_start3A_528, %dma_start3A_529] : memref<7x128x128xf32, #tpu.memory_space<vmem>> -> memref<1x128x128xf32, #tpu.memory_space<vmem>>
    %dma_start3A_531 = tpu.memref_squeeze %dma_start3A_530 : memref<1x128x128xf32, #tpu.memory_space<vmem>> -> memref<128x128xf32, #tpu.memory_space<vmem>>
    tpu.enqueue_dma source(%dma_start3A_531 : memref<128x128xf32, #tpu.memory_space<vmem>>) target(%dma_start3A_527 : memref<128x128xf32, #tpu.memory_space<hbm>>) target_semaphore(%arg10 : memref<!tpu.dma_semaphore, #tpu.memory_space<semaphore_mem>>)
    %dma_wait3A_532 = arith.constant 3 : i32
    %dma_wait3A_533 = arith.constant 2 : i32
    %dma_wait3A_534 = arith.constant 4 : i32
    %dma_wait3A_535 = arith.constant 0 : i32
    %dma_wait3A_536 = arith.constant 0 : i32
    %dma_wait3A_537 = tpu.memref_slice %arg8[%dma_wait3A_534, %dma_wait3A_535, %dma_wait3A_536] : memref<7x128x128xf32, #tpu.memory_space<vmem>> -> memref<1x128x128xf32, #tpu.memory_space<vmem>>
    %dma_wait3A_538 = tpu.memref_squeeze %dma_wait3A_537 : memref<1x128x128xf32, #tpu.memory_space<vmem>> -> memref<128x128xf32, #tpu.memory_space<vmem>>
    %dma_wait3A_539 = arith.constant 0 : i32
    %dma_wait3A_540 = tpu.memref_slice %arg7[%dma_wait3A_532, %dma_wait3A_533, %dma_wait3A_539] : memref<4x3x128xi32, #tpu.memory_space<vmem>> -> memref<1x1x128xi32, #tpu.memory_space<vmem>>
    %dma_wait3A_541 = tpu.memref_squeeze %dma_wait3A_540 : memref<1x1x128xi32, #tpu.memory_space<vmem>> -> memref<128xi32, #tpu.memory_space<vmem>>
    %dma_wait3A_542 = arith.constant 0 : i32
    %dma_wait3A_543 = arith.constant 0 : i32
    %dma_wait3A_544 = tpu.memref_slice %arg3[%dma_wait3A_542, %dma_wait3A_543] : memref<3048x128xf32, #tpu.memory_space<hbm>> -> memref<3048x128xf32, #tpu.memory_space<hbm>>
    tpu.wait_indirect_dma semaphore(%arg9 : memref<!tpu.dma_semaphore, #tpu.memory_space<semaphore_mem>>) src(%dma_wait3A_544 : memref<3048x128xf32, #tpu.memory_space<hbm>>) dst(%dma_wait3A_538 : memref<128x128xf32, #tpu.memory_space<vmem>>)
    %add3A_545 = arith.constant 384 : i32
    %add3A_546 = arith.addi %mul3A_2, %add3A_545 : i32
    %dma_start3A_547 = arith.constant 4 : i32
    %dma_start3A_548 = arith.constant 0 : i32
    %dma_start3A_549 = arith.constant 0 : i32
    %dma_start3A_550 = tpu.memref_slice %arg8[%dma_start3A_547, %dma_start3A_548, %dma_start3A_549] : memref<7x128x128xf32, #tpu.memory_space<vmem>> -> memref<1x128x128xf32, #tpu.memory_space<vmem>>
    %dma_start3A_551 = tpu.memref_squeeze %dma_start3A_550 : memref<1x128x128xf32, #tpu.memory_space<vmem>> -> memref<128x128xf32, #tpu.memory_space<vmem>>
    %dma_start3A_552 = arith.constant 0 : i32
    %dma_start3A_553 = tpu.memref_slice %arg6[%add3A_546, %dma_start3A_552] : memref<16384x128xf32, #tpu.memory_space<hbm>> -> memref<128x128xf32, #tpu.memory_space<hbm>>
    %dma_start3A_554 = arith.constant 0 : i32
    %dma_start3A_555 = tpu.memref_slice %arg6[%add3A_546, %dma_start3A_554] : memref<16384x128xf32, #tpu.memory_space<hbm>> -> memref<128x128xf32, #tpu.memory_space<hbm>>
    %dma_start3A_556 = arith.constant 0 : i32
    %dma_start3A_557 = arith.constant 0 : i32
    %dma_start3A_558 = tpu.memref_slice %arg8[%dma_start3A_547, %dma_start3A_556, %dma_start3A_557] : memref<7x128x128xf32, #tpu.memory_space<vmem>> -> memref<1x128x128xf32, #tpu.memory_space<vmem>>
    %dma_start3A_559 = tpu.memref_squeeze %dma_start3A_558 : memref<1x128x128xf32, #tpu.memory_space<vmem>> -> memref<128x128xf32, #tpu.memory_space<vmem>>
    tpu.enqueue_dma source(%dma_start3A_559 : memref<128x128xf32, #tpu.memory_space<vmem>>) target(%dma_start3A_555 : memref<128x128xf32, #tpu.memory_space<hbm>>) target_semaphore(%arg10 : memref<!tpu.dma_semaphore, #tpu.memory_space<semaphore_mem>>)
    %dma_wait3A_560 = arith.constant 5 : i32
    %dma_wait3A_561 = arith.constant 0 : i32
    %dma_wait3A_562 = arith.constant 0 : i32
    %dma_wait3A_563 = tpu.memref_slice %arg8[%dma_wait3A_560, %dma_wait3A_561, %dma_wait3A_562] : memref<7x128x128xf32, #tpu.memory_space<vmem>> -> memref<1x128x128xf32, #tpu.memory_space<vmem>>
    %dma_wait3A_564 = tpu.memref_squeeze %dma_wait3A_563 : memref<1x128x128xf32, #tpu.memory_space<vmem>> -> memref<128x128xf32, #tpu.memory_space<vmem>>
    %dma_wait3A_565 = arith.constant 0 : i32
    %dma_wait3A_566 = tpu.memref_slice %arg5[%add3A_378, %dma_wait3A_565] : memref<16384x128xf32, #tpu.memory_space<hbm>> -> memref<128x128xf32, #tpu.memory_space<hbm>>
    %dma_wait3A_567 = arith.constant 0 : i32
    %dma_wait3A_568 = tpu.memref_slice %arg5[%add3A_378, %dma_wait3A_567] : memref<16384x128xf32, #tpu.memory_space<hbm>> -> memref<128x128xf32, #tpu.memory_space<hbm>>
    %dma_wait3A_569 = arith.constant 0 : i32
    %dma_wait3A_570 = arith.constant 0 : i32
    %dma_wait3A_571 = tpu.memref_slice %arg8[%dma_wait3A_560, %dma_wait3A_569, %dma_wait3A_570] : memref<7x128x128xf32, #tpu.memory_space<vmem>> -> memref<1x128x128xf32, #tpu.memory_space<vmem>>
    %dma_wait3A_572 = tpu.memref_squeeze %dma_wait3A_571 : memref<1x128x128xf32, #tpu.memory_space<vmem>> -> memref<128x128xf32, #tpu.memory_space<vmem>>
    tpu.wait_dma2 semaphore(%arg10 : memref<!tpu.dma_semaphore, #tpu.memory_space<semaphore_mem>>) src(%dma_wait3A_572 : memref<128x128xf32, #tpu.memory_space<vmem>>) dst(%dma_wait3A_568 : memref<128x128xf32, #tpu.memory_space<hbm>>)
    %dma_wait3A_573 = arith.constant 6 : i32
    %dma_wait3A_574 = arith.constant 0 : i32
    %dma_wait3A_575 = arith.constant 0 : i32
    %dma_wait3A_576 = tpu.memref_slice %arg8[%dma_wait3A_573, %dma_wait3A_574, %dma_wait3A_575] : memref<7x128x128xf32, #tpu.memory_space<vmem>> -> memref<1x128x128xf32, #tpu.memory_space<vmem>>
    %dma_wait3A_577 = tpu.memref_squeeze %dma_wait3A_576 : memref<1x128x128xf32, #tpu.memory_space<vmem>> -> memref<128x128xf32, #tpu.memory_space<vmem>>
    %dma_wait3A_578 = arith.constant 0 : i32
    %dma_wait3A_579 = tpu.memref_slice %arg5[%add3A_406, %dma_wait3A_578] : memref<16384x128xf32, #tpu.memory_space<hbm>> -> memref<128x128xf32, #tpu.memory_space<hbm>>
    %dma_wait3A_580 = arith.constant 0 : i32
    %dma_wait3A_581 = tpu.memref_slice %arg5[%add3A_406, %dma_wait3A_580] : memref<16384x128xf32, #tpu.memory_space<hbm>> -> memref<128x128xf32, #tpu.memory_space<hbm>>
    %dma_wait3A_582 = arith.constant 0 : i32
    %dma_wait3A_583 = arith.constant 0 : i32
    %dma_wait3A_584 = tpu.memref_slice %arg8[%dma_wait3A_573, %dma_wait3A_582, %dma_wait3A_583] : memref<7x128x128xf32, #tpu.memory_space<vmem>> -> memref<1x128x128xf32, #tpu.memory_space<vmem>>
    %dma_wait3A_585 = tpu.memref_squeeze %dma_wait3A_584 : memref<1x128x128xf32, #tpu.memory_space<vmem>> -> memref<128x128xf32, #tpu.memory_space<vmem>>
    tpu.wait_dma2 semaphore(%arg10 : memref<!tpu.dma_semaphore, #tpu.memory_space<semaphore_mem>>) src(%dma_wait3A_585 : memref<128x128xf32, #tpu.memory_space<vmem>>) dst(%dma_wait3A_581 : memref<128x128xf32, #tpu.memory_space<hbm>>)
    %dma_wait3A_586 = arith.constant 0 : i32
    %dma_wait3A_587 = arith.constant 0 : i32
    %dma_wait3A_588 = arith.constant 0 : i32
    %dma_wait3A_589 = tpu.memref_slice %arg8[%dma_wait3A_586, %dma_wait3A_587, %dma_wait3A_588] : memref<7x128x128xf32, #tpu.memory_space<vmem>> -> memref<1x128x128xf32, #tpu.memory_space<vmem>>
    %dma_wait3A_590 = tpu.memref_squeeze %dma_wait3A_589 : memref<1x128x128xf32, #tpu.memory_space<vmem>> -> memref<128x128xf32, #tpu.memory_space<vmem>>
    %dma_wait3A_591 = arith.constant 0 : i32
    %dma_wait3A_592 = tpu.memref_slice %arg5[%add3A_434, %dma_wait3A_591] : memref<16384x128xf32, #tpu.memory_space<hbm>> -> memref<128x128xf32, #tpu.memory_space<hbm>>
    %dma_wait3A_593 = arith.constant 0 : i32
    %dma_wait3A_594 = tpu.memref_slice %arg5[%add3A_434, %dma_wait3A_593] : memref<16384x128xf32, #tpu.memory_space<hbm>> -> memref<128x128xf32, #tpu.memory_space<hbm>>
    %dma_wait3A_595 = arith.constant 0 : i32
    %dma_wait3A_596 = arith.constant 0 : i32
    %dma_wait3A_597 = tpu.memref_slice %arg8[%dma_wait3A_586, %dma_wait3A_595, %dma_wait3A_596] : memref<7x128x128xf32, #tpu.memory_space<vmem>> -> memref<1x128x128xf32, #tpu.memory_space<vmem>>
    %dma_wait3A_598 = tpu.memref_squeeze %dma_wait3A_597 : memref<1x128x128xf32, #tpu.memory_space<vmem>> -> memref<128x128xf32, #tpu.memory_space<vmem>>
    tpu.wait_dma2 semaphore(%arg10 : memref<!tpu.dma_semaphore, #tpu.memory_space<semaphore_mem>>) src(%dma_wait3A_598 : memref<128x128xf32, #tpu.memory_space<vmem>>) dst(%dma_wait3A_594 : memref<128x128xf32, #tpu.memory_space<hbm>>)
    %dma_wait3A_599 = arith.constant 1 : i32
    %dma_wait3A_600 = arith.constant 0 : i32
    %dma_wait3A_601 = arith.constant 0 : i32
    %dma_wait3A_602 = tpu.memref_slice %arg8[%dma_wait3A_599, %dma_wait3A_600, %dma_wait3A_601] : memref<7x128x128xf32, #tpu.memory_space<vmem>> -> memref<1x128x128xf32, #tpu.memory_space<vmem>>
    %dma_wait3A_603 = tpu.memref_squeeze %dma_wait3A_602 : memref<1x128x128xf32, #tpu.memory_space<vmem>> -> memref<128x128xf32, #tpu.memory_space<vmem>>
    %dma_wait3A_604 = arith.constant 0 : i32
    %dma_wait3A_605 = tpu.memref_slice %arg6[%add3A_462, %dma_wait3A_604] : memref<16384x128xf32, #tpu.memory_space<hbm>> -> memref<128x128xf32, #tpu.memory_space<hbm>>
    %dma_wait3A_606 = arith.constant 0 : i32
    %dma_wait3A_607 = tpu.memref_slice %arg6[%add3A_462, %dma_wait3A_606] : memref<16384x128xf32, #tpu.memory_space<hbm>> -> memref<128x128xf32, #tpu.memory_space<hbm>>
    %dma_wait3A_608 = arith.constant 0 : i32
    %dma_wait3A_609 = arith.constant 0 : i32
    %dma_wait3A_610 = tpu.memref_slice %arg8[%dma_wait3A_599, %dma_wait3A_608, %dma_wait3A_609] : memref<7x128x128xf32, #tpu.memory_space<vmem>> -> memref<1x128x128xf32, #tpu.memory_space<vmem>>
    %dma_wait3A_611 = tpu.memref_squeeze %dma_wait3A_610 : memref<1x128x128xf32, #tpu.memory_space<vmem>> -> memref<128x128xf32, #tpu.memory_space<vmem>>
    tpu.wait_dma2 semaphore(%arg10 : memref<!tpu.dma_semaphore, #tpu.memory_space<semaphore_mem>>) src(%dma_wait3A_611 : memref<128x128xf32, #tpu.memory_space<vmem>>) dst(%dma_wait3A_607 : memref<128x128xf32, #tpu.memory_space<hbm>>)
    %dma_wait3A_612 = arith.constant 2 : i32
    %dma_wait3A_613 = arith.constant 0 : i32
    %dma_wait3A_614 = arith.constant 0 : i32
    %dma_wait3A_615 = tpu.memref_slice %arg8[%dma_wait3A_612, %dma_wait3A_613, %dma_wait3A_614] : memref<7x128x128xf32, #tpu.memory_space<vmem>> -> memref<1x128x128xf32, #tpu.memory_space<vmem>>
    %dma_wait3A_616 = tpu.memref_squeeze %dma_wait3A_615 : memref<1x128x128xf32, #tpu.memory_space<vmem>> -> memref<128x128xf32, #tpu.memory_space<vmem>>
    %dma_wait3A_617 = arith.constant 0 : i32
    %dma_wait3A_618 = tpu.memref_slice %arg6[%add3A_490, %dma_wait3A_617] : memref<16384x128xf32, #tpu.memory_space<hbm>> -> memref<128x128xf32, #tpu.memory_space<hbm>>
    %dma_wait3A_619 = arith.constant 0 : i32
    %dma_wait3A_620 = tpu.memref_slice %arg6[%add3A_490, %dma_wait3A_619] : memref<16384x128xf32, #tpu.memory_space<hbm>> -> memref<128x128xf32, #tpu.memory_space<hbm>>
    %dma_wait3A_621 = arith.constant 0 : i32
    %dma_wait3A_622 = arith.constant 0 : i32
    %dma_wait3A_623 = tpu.memref_slice %arg8[%dma_wait3A_612, %dma_wait3A_621, %dma_wait3A_622] : memref<7x128x128xf32, #tpu.memory_space<vmem>> -> memref<1x128x128xf32, #tpu.memory_space<vmem>>
    %dma_wait3A_624 = tpu.memref_squeeze %dma_wait3A_623 : memref<1x128x128xf32, #tpu.memory_space<vmem>> -> memref<128x128xf32, #tpu.memory_space<vmem>>
    tpu.wait_dma2 semaphore(%arg10 : memref<!tpu.dma_semaphore, #tpu.memory_space<semaphore_mem>>) src(%dma_wait3A_624 : memref<128x128xf32, #tpu.memory_space<vmem>>) dst(%dma_wait3A_620 : memref<128x128xf32, #tpu.memory_space<hbm>>)
    %dma_wait3A_625 = arith.constant 3 : i32
    %dma_wait3A_626 = arith.constant 0 : i32
    %dma_wait3A_627 = arith.constant 0 : i32
    %dma_wait3A_628 = tpu.memref_slice %arg8[%dma_wait3A_625, %dma_wait3A_626, %dma_wait3A_627] : memref<7x128x128xf32, #tpu.memory_space<vmem>> -> memref<1x128x128xf32, #tpu.memory_space<vmem>>
    %dma_wait3A_629 = tpu.memref_squeeze %dma_wait3A_628 : memref<1x128x128xf32, #tpu.memory_space<vmem>> -> memref<128x128xf32, #tpu.memory_space<vmem>>
    %dma_wait3A_630 = arith.constant 0 : i32
    %dma_wait3A_631 = tpu.memref_slice %arg6[%add3A_518, %dma_wait3A_630] : memref<16384x128xf32, #tpu.memory_space<hbm>> -> memref<128x128xf32, #tpu.memory_space<hbm>>
    %dma_wait3A_632 = arith.constant 0 : i32
    %dma_wait3A_633 = tpu.memref_slice %arg6[%add3A_518, %dma_wait3A_632] : memref<16384x128xf32, #tpu.memory_space<hbm>> -> memref<128x128xf32, #tpu.memory_space<hbm>>
    %dma_wait3A_634 = arith.constant 0 : i32
    %dma_wait3A_635 = arith.constant 0 : i32
    %dma_wait3A_636 = tpu.memref_slice %arg8[%dma_wait3A_625, %dma_wait3A_634, %dma_wait3A_635] : memref<7x128x128xf32, #tpu.memory_space<vmem>> -> memref<1x128x128xf32, #tpu.memory_space<vmem>>
    %dma_wait3A_637 = tpu.memref_squeeze %dma_wait3A_636 : memref<1x128x128xf32, #tpu.memory_space<vmem>> -> memref<128x128xf32, #tpu.memory_space<vmem>>
    tpu.wait_dma2 semaphore(%arg10 : memref<!tpu.dma_semaphore, #tpu.memory_space<semaphore_mem>>) src(%dma_wait3A_637 : memref<128x128xf32, #tpu.memory_space<vmem>>) dst(%dma_wait3A_633 : memref<128x128xf32, #tpu.memory_space<hbm>>)
    %dma_wait3A_638 = arith.constant 4 : i32
    %dma_wait3A_639 = arith.constant 0 : i32
    %dma_wait3A_640 = arith.constant 0 : i32
    %dma_wait3A_641 = tpu.memref_slice %arg8[%dma_wait3A_638, %dma_wait3A_639, %dma_wait3A_640] : memref<7x128x128xf32, #tpu.memory_space<vmem>> -> memref<1x128x128xf32, #tpu.memory_space<vmem>>
    %dma_wait3A_642 = tpu.memref_squeeze %dma_wait3A_641 : memref<1x128x128xf32, #tpu.memory_space<vmem>> -> memref<128x128xf32, #tpu.memory_space<vmem>>
    %dma_wait3A_643 = arith.constant 0 : i32
    %dma_wait3A_644 = tpu.memref_slice %arg6[%add3A_546, %dma_wait3A_643] : memref<16384x128xf32, #tpu.memory_space<hbm>> -> memref<128x128xf32, #tpu.memory_space<hbm>>
    %dma_wait3A_645 = arith.constant 0 : i32
    %dma_wait3A_646 = tpu.memref_slice %arg6[%add3A_546, %dma_wait3A_645] : memref<16384x128xf32, #tpu.memory_space<hbm>> -> memref<128x128xf32, #tpu.memory_space<hbm>>
    %dma_wait3A_647 = arith.constant 0 : i32
    %dma_wait3A_648 = arith.constant 0 : i32
    %dma_wait3A_649 = tpu.memref_slice %arg8[%dma_wait3A_638, %dma_wait3A_647, %dma_wait3A_648] : memref<7x128x128xf32, #tpu.memory_space<vmem>> -> memref<1x128x128xf32, #tpu.memory_space<vmem>>
    %dma_wait3A_650 = tpu.memref_squeeze %dma_wait3A_649 : memref<1x128x128xf32, #tpu.memory_space<vmem>> -> memref<128x128xf32, #tpu.memory_space<vmem>>
    tpu.wait_dma2 semaphore(%arg10 : memref<!tpu.dma_semaphore, #tpu.memory_space<semaphore_mem>>) src(%dma_wait3A_650 : memref<128x128xf32, #tpu.memory_space<vmem>>) dst(%dma_wait3A_646 : memref<128x128xf32, #tpu.memory_space<hbm>>)
    return
  }
}

module attributes {stable_mosaic.version = 14 : i64} {
  func.func @_mlp_body(%arg0: i32, %arg1: memref<4096x128xf32, #tpu.memory_space<vmem>>, %arg2: memref<4096x128xf32, #tpu.memory_space<vmem>>, %arg3: memref<4096x128xf32, #tpu.memory_space<vmem>>, %arg4: memref<64x512xbf16, #tpu.memory_space<vmem>>, %arg5: memref<64x512xbf16, #tpu.memory_space<vmem>>, %arg6: memref<64x512xbf16, #tpu.memory_space<vmem>>, %arg7: memref<1x512xf32, #tpu.memory_space<vmem>>, %arg8: memref<512x256xbf16, #tpu.memory_space<vmem>>, %arg9: memref<1x256xf32, #tpu.memory_space<vmem>>, %arg10: memref<256x128xbf16, #tpu.memory_space<vmem>>, %arg11: memref<1x128xf32, #tpu.memory_space<vmem>>, %arg12: memref<1x128xf32, #tpu.memory_space<vmem>>, %arg13: memref<1x1xf32, #tpu.memory_space<vmem>>, %arg14: memref<32x128xf32, #tpu.memory_space<vmem>>) attributes {dimension_semantics = [#tpu.dimension_semantics<arbitrary>], iteration_bounds = array<i64: 4>, scalar_prefetch = 0 : i64, scratch_operands = 0 : i64, tpu.core_type = #tpu.core_type<tc>, window_params = [{transform_indices = @transform_0, window_bounds = array<i64: 4096, 128>}, {transform_indices = @transform_1, window_bounds = array<i64: 4096, 128>}, {transform_indices = @transform_2, window_bounds = array<i64: 4096, 128>}, {pipeline_mode = #tpu.pipeline_mode<synchronous>, transform_indices = @transform_3, window_bounds = array<i64: 64, 512>}, {pipeline_mode = #tpu.pipeline_mode<synchronous>, transform_indices = @transform_4, window_bounds = array<i64: 64, 512>}, {pipeline_mode = #tpu.pipeline_mode<synchronous>, transform_indices = @transform_5, window_bounds = array<i64: 64, 512>}, {pipeline_mode = #tpu.pipeline_mode<synchronous>, transform_indices = @transform_6, window_bounds = array<i64: 1, 512>}, {pipeline_mode = #tpu.pipeline_mode<synchronous>, transform_indices = @transform_7, window_bounds = array<i64: 512, 256>}, {pipeline_mode = #tpu.pipeline_mode<synchronous>, transform_indices = @transform_8, window_bounds = array<i64: 1, 256>}, {pipeline_mode = #tpu.pipeline_mode<synchronous>, transform_indices = @transform_9, window_bounds = array<i64: 256, 128>}, {pipeline_mode = #tpu.pipeline_mode<synchronous>, transform_indices = @transform_10, window_bounds = array<i64: 1, 128>}, {pipeline_mode = #tpu.pipeline_mode<synchronous>, transform_indices = @transform_11, window_bounds = array<i64: 1, 128>}, {pipeline_mode = #tpu.pipeline_mode<synchronous>, transform_indices = @transform_12, window_bounds = array<i64: 1, 1>}, {transform_indices = @transform_13, window_bounds = array<i64: 32, 128>}]} {
    %get3A = arith.constant 0 : index
    %get3A_0 = arith.constant 0 : index
    %get3A_1 = vector.load %arg1[%get3A, %get3A_0] : memref<4096x128xf32, #tpu.memory_space<vmem>>, vector<4096x64xf32>
    %convert_element_type3A = arith.truncf %get3A_1 : vector<4096x64xf32> to vector<4096x64xbf16>
    %get3A_2 = arith.constant 0 : index
    %get3A_3 = arith.constant 0 : index
    %get3A_4 = vector.load %arg4[%get3A_2, %get3A_3] : memref<64x512xbf16, #tpu.memory_space<vmem>>, vector<64x512xbf16>
    %dot_general3A = arith.constant dense<0.000000e+00> : vector<4096x512xf32>
    %dot_general3A_5 = tpu.matmul %convert_element_type3A, %get3A_4, %dot_general3A {dimension_numbers = #tpu.dot_dimension_numbers<[1], [0], [0], [1], [0, 0, 1, 1], [], []>, transpose_lhs_hint = false} : vector<4096x64xbf16>, vector<64x512xbf16>, vector<4096x512xf32> -> vector<4096x512xf32>
    %get3A_6 = arith.constant 0 : index
    %get3A_7 = arith.constant 0 : index
    %get3A_8 = vector.load %arg2[%get3A_6, %get3A_7] : memref<4096x128xf32, #tpu.memory_space<vmem>>, vector<4096x64xf32>
    %convert_element_type3A_9 = arith.truncf %get3A_8 : vector<4096x64xf32> to vector<4096x64xbf16>
    %get3A_10 = arith.constant 0 : index
    %get3A_11 = arith.constant 0 : index
    %get3A_12 = vector.load %arg5[%get3A_10, %get3A_11] : memref<64x512xbf16, #tpu.memory_space<vmem>>, vector<64x512xbf16>
    %dot_general3A_13 = arith.constant dense<0.000000e+00> : vector<4096x512xf32>
    %dot_general3A_14 = tpu.matmul %convert_element_type3A_9, %get3A_12, %dot_general3A_13 {dimension_numbers = #tpu.dot_dimension_numbers<[1], [0], [0], [1], [0, 0, 1, 1], [], []>, transpose_lhs_hint = false} : vector<4096x64xbf16>, vector<64x512xbf16>, vector<4096x512xf32> -> vector<4096x512xf32>
    %add3A = arith.addf %dot_general3A_5, %dot_general3A_14 : vector<4096x512xf32>
    %get3A_15 = arith.constant 0 : index
    %get3A_16 = arith.constant 0 : index
    %get3A_17 = vector.load %arg3[%get3A_15, %get3A_16] : memref<4096x128xf32, #tpu.memory_space<vmem>>, vector<4096x64xf32>
    %convert_element_type3A_18 = arith.truncf %get3A_17 : vector<4096x64xf32> to vector<4096x64xbf16>
    %get3A_19 = arith.constant 0 : index
    %get3A_20 = arith.constant 0 : index
    %get3A_21 = vector.load %arg6[%get3A_19, %get3A_20] : memref<64x512xbf16, #tpu.memory_space<vmem>>, vector<64x512xbf16>
    %dot_general3A_22 = arith.constant dense<0.000000e+00> : vector<4096x512xf32>
    %dot_general3A_23 = tpu.matmul %convert_element_type3A_18, %get3A_21, %dot_general3A_22 {dimension_numbers = #tpu.dot_dimension_numbers<[1], [0], [0], [1], [0, 0, 1, 1], [], []>, transpose_lhs_hint = false} : vector<4096x64xbf16>, vector<64x512xbf16>, vector<4096x512xf32> -> vector<4096x512xf32>
    %add3A_24 = arith.addf %add3A, %dot_general3A_23 : vector<4096x512xf32>
    %get3A_25 = arith.constant 0 : index
    %get3A_26 = arith.constant 0 : index
    %get3A_27 = vector.load %arg7[%get3A_25, %get3A_26] : memref<1x512xf32, #tpu.memory_space<vmem>>, vector<1x512xf32>
    %add3A_28 = vector.broadcast %get3A_27 : vector<1x512xf32> to vector<4096x512xf32>
    %add3A_29 = arith.addf %add3A_24, %add3A_28 : vector<4096x512xf32>
    %tanh3A = math.tanh %add3A_29 : vector<4096x512xf32>
    %convert_element_type3A_30 = arith.truncf %tanh3A : vector<4096x512xf32> to vector<4096x512xbf16>
    %get3A_31 = arith.constant 0 : index
    %get3A_32 = arith.constant 0 : index
    %get3A_33 = vector.load %arg8[%get3A_31, %get3A_32] : memref<512x256xbf16, #tpu.memory_space<vmem>>, vector<512x256xbf16>
    %dot_general3A_34 = arith.constant dense<0.000000e+00> : vector<4096x256xf32>
    %dot_general3A_35 = tpu.matmul %convert_element_type3A_30, %get3A_33, %dot_general3A_34 {dimension_numbers = #tpu.dot_dimension_numbers<[1], [0], [0], [1], [0, 0, 1, 1], [], []>, transpose_lhs_hint = false} : vector<4096x512xbf16>, vector<512x256xbf16>, vector<4096x256xf32> -> vector<4096x256xf32>
    %get3A_36 = arith.constant 0 : index
    %get3A_37 = arith.constant 0 : index
    %get3A_38 = vector.load %arg9[%get3A_36, %get3A_37] : memref<1x256xf32, #tpu.memory_space<vmem>>, vector<1x256xf32>
    %add3A_39 = vector.broadcast %get3A_38 : vector<1x256xf32> to vector<4096x256xf32>
    %add3A_40 = arith.addf %dot_general3A_35, %add3A_39 : vector<4096x256xf32>
    %tanh3A_41 = math.tanh %add3A_40 : vector<4096x256xf32>
    %convert_element_type3A_42 = arith.truncf %tanh3A_41 : vector<4096x256xf32> to vector<4096x256xbf16>
    %get3A_43 = arith.constant 0 : index
    %get3A_44 = arith.constant 0 : index
    %get3A_45 = vector.load %arg10[%get3A_43, %get3A_44] : memref<256x128xbf16, #tpu.memory_space<vmem>>, vector<256x128xbf16>
    %dot_general3A_46 = arith.constant dense<0.000000e+00> : vector<4096x128xf32>
    %dot_general3A_47 = tpu.matmul %convert_element_type3A_42, %get3A_45, %dot_general3A_46 {dimension_numbers = #tpu.dot_dimension_numbers<[1], [0], [0], [1], [0, 0, 1, 1], [], []>, transpose_lhs_hint = false} : vector<4096x256xbf16>, vector<256x128xbf16>, vector<4096x128xf32> -> vector<4096x128xf32>
    %get3A_48 = arith.constant 0 : index
    %get3A_49 = arith.constant 0 : index
    %get3A_50 = vector.load %arg11[%get3A_48, %get3A_49] : memref<1x128xf32, #tpu.memory_space<vmem>>, vector<1x128xf32>
    %add3A_51 = vector.broadcast %get3A_50 : vector<1x128xf32> to vector<4096x128xf32>
    %add3A_52 = arith.addf %dot_general3A_47, %add3A_51 : vector<4096x128xf32>
    %tanh3A_53 = math.tanh %add3A_52 : vector<4096x128xf32>
    %get3A_54 = arith.constant 0 : index
    %get3A_55 = arith.constant 0 : index
    %get3A_56 = vector.load %arg12[%get3A_54, %get3A_55] : memref<1x128xf32, #tpu.memory_space<vmem>>, vector<1x128xf32>
    %mul3A = vector.broadcast %get3A_56 : vector<1x128xf32> to vector<4096x128xf32>
    %mul3A_57 = arith.mulf %tanh3A_53, %mul3A : vector<4096x128xf32>
    %reduce_sum3A = arith.constant dense<0.000000e+00> : vector<4096xf32>
    %reduce_sum3A_58 = vector.multi_reduction <add>, %mul3A_57, %reduce_sum3A [1] : vector<4096x128xf32> to vector<4096xf32>
    %get3A_59 = arith.constant 0 : index
    %get3A_60 = arith.constant 0 : index
    %get3A_61 = vector.load %arg13[%get3A_59, %get3A_60] : memref<1x1xf32, #tpu.memory_space<vmem>>, vector<1x1xf32>
    %get3A_62 = vector.extract %get3A_61[0, 0] : f32 from vector<1x1xf32>
    %add3A_63 = vector.broadcast %get3A_62 : f32 to vector<4096xf32>
    %add3A_64 = arith.addf %reduce_sum3A_58, %add3A_63 : vector<4096xf32>
    %reshape3A = vector.shape_cast %add3A_64 : vector<4096xf32> to vector<32x128xf32>
    %swap3A = arith.constant 0 : index
    %swap3A_65 = arith.constant 0 : index
    %swap3A_66 = vector.load %arg14[%swap3A, %swap3A_65] : memref<32x128xf32, #tpu.memory_space<vmem>>, vector<32x128xf32>
    tpu.vector_store %arg14[%swap3A, %swap3A_65], %reshape3A {strides = array<i32>} : memref<32x128xf32, #tpu.memory_space<vmem>>, vector<32x128xf32>,
    return
  }
  func.func @transform_0(%arg0: i32) -> (i32, i32) {
    %c0_i32 = arith.constant 0 : i32
    %c0_i32_0 = arith.constant 0 : i32
    return %arg0, %c0_i32 : i32, i32
  }
  func.func @transform_1(%arg0: i32) -> (i32, i32) {
    %c0_i32 = arith.constant 0 : i32
    %c0_i32_0 = arith.constant 0 : i32
    return %arg0, %c0_i32 : i32, i32
  }
  func.func @transform_2(%arg0: i32) -> (i32, i32) {
    %c0_i32 = arith.constant 0 : i32
    %c0_i32_0 = arith.constant 0 : i32
    return %arg0, %c0_i32 : i32, i32
  }
  func.func @transform_3(%arg0: i32) -> (i32, i32) {
    %c0_i32 = arith.constant 0 : i32
    %c0_i32_0 = arith.constant 0 : i32
    %c0_i32_1 = arith.constant 0 : i32
    return %c0_i32, %c0_i32_0 : i32, i32
  }
  func.func @transform_4(%arg0: i32) -> (i32, i32) {
    %c0_i32 = arith.constant 0 : i32
    %c0_i32_0 = arith.constant 0 : i32
    %c0_i32_1 = arith.constant 0 : i32
    return %c0_i32, %c0_i32_0 : i32, i32
  }
  func.func @transform_5(%arg0: i32) -> (i32, i32) {
    %c0_i32 = arith.constant 0 : i32
    %c0_i32_0 = arith.constant 0 : i32
    %c0_i32_1 = arith.constant 0 : i32
    return %c0_i32, %c0_i32_0 : i32, i32
  }
  func.func @transform_6(%arg0: i32) -> (i32, i32) {
    %c0_i32 = arith.constant 0 : i32
    %c0_i32_0 = arith.constant 0 : i32
    %c0_i32_1 = arith.constant 0 : i32
    return %c0_i32, %c0_i32_0 : i32, i32
  }
  func.func @transform_7(%arg0: i32) -> (i32, i32) {
    %c0_i32 = arith.constant 0 : i32
    %c0_i32_0 = arith.constant 0 : i32
    %c0_i32_1 = arith.constant 0 : i32
    return %c0_i32, %c0_i32_0 : i32, i32
  }
  func.func @transform_8(%arg0: i32) -> (i32, i32) {
    %c0_i32 = arith.constant 0 : i32
    %c0_i32_0 = arith.constant 0 : i32
    %c0_i32_1 = arith.constant 0 : i32
    return %c0_i32, %c0_i32_0 : i32, i32
  }
  func.func @transform_9(%arg0: i32) -> (i32, i32) {
    %c0_i32 = arith.constant 0 : i32
    %c0_i32_0 = arith.constant 0 : i32
    %c0_i32_1 = arith.constant 0 : i32
    return %c0_i32, %c0_i32_0 : i32, i32
  }
  func.func @transform_10(%arg0: i32) -> (i32, i32) {
    %c0_i32 = arith.constant 0 : i32
    %c0_i32_0 = arith.constant 0 : i32
    %c0_i32_1 = arith.constant 0 : i32
    return %c0_i32, %c0_i32_0 : i32, i32
  }
  func.func @transform_11(%arg0: i32) -> (i32, i32) {
    %c0_i32 = arith.constant 0 : i32
    %c0_i32_0 = arith.constant 0 : i32
    %c0_i32_1 = arith.constant 0 : i32
    return %c0_i32, %c0_i32_0 : i32, i32
  }
  func.func @transform_12(%arg0: i32) -> (i32, i32) {
    %c0_i32 = arith.constant 0 : i32
    %c0_i32_0 = arith.constant 0 : i32
    %c0_i32_1 = arith.constant 0 : i32
    return %c0_i32, %c0_i32_0 : i32, i32
  }
  func.func @transform_13(%arg0: i32) -> (i32, i32) {
    %c0_i32 = arith.constant 0 : i32
    %c0_i32_0 = arith.constant 0 : i32
    return %arg0, %c0_i32 : i32, i32
  }
}

</mosaic_0001>

<sc_bundles>
// kernel: kernel.4.cloned.1.call-start
scs
__scs_entry_jumppad:
0x0: {  	(pc) =	sbr.rel $0x88, $3  }
0x1: {  	(tag) =	ssettag $0x0;
	lr =	simm.s32 $0x1  }
0x2: {  	[smem:$0x3F95] =	sst lr;
	_ =	strace $0xD0000000  }
0x3: {  	_ = 	snop  }
0x4: {  	_ = 	snop  }
0x5: {  	_ = 	snop  }
0x6: {  	_ = 	snop  }
0x7: {  	_ = 	snop  }
__scs_overlays_trampoline_lowered:
0x8: {  	[smem:$0x3FA4] =	sst s0  }
0x9: {  	[smem:$0x3FA5] =	sst s1  }
0xa: {  	[smem:$0x3FA6] =	sst s2  }
0xb: {  	[smem:$0x3FA7] =	sst s3  }
0xc: {  	[smem:$0x3FA8] =	sst s4  }
0xd: {  	[smem:$0x3FA9] =	sst s5  }
0xe: {  	[smem:$0x3FAA] =	sst s6  }
0xf: {  	[smem:$0x3FAB] =	sst s7  }
0x10: {  	[smem:$0x3FAC] =	sst s8  }
0x11: {  	[smem:$0x3FAD] =	sst s9;
	s0 =	simm.s32 @!p0 $0x0  }
0x12: {  	s1 =	sld [smem:$0x3F93];
	s0 =	simm.s32 @p0 $0x1  }
0x13: {  	[smem:$0x3FAE] =	sst s0;
	s0 =	simm.s32 @!p1 $0x0  }
0x14: {  	s2 =	sld [smem:$0x3F92];
	s0 =	simm.s32 @p1 $0x1  }
0x15: {  	[smem:$0x3FAF] =	sst s0;
	s0 =	simm.s32 @!p2 $0x0  }
0x16: {  	s3 =	sld [smem:$0x3FDB];
	s0 =	simm.s32 @p2 $0x1  }
0x17: {  	s4 =	simm.s32 $0x1BF5;
	[smem:$0x3FB1] =	sst s0  }
0x18: {  	s0 =	sld [smem:$0x3F94];
	_ =	swait.ge [sflag:s4], $0x0  }
0x19: {  	s7 =	sld [smem:$0x3F95]  }
0x1a: {  	s8 =	sadd.s32 $0xFFFFE003, lr  }
0x1b: {  	s9 =	sadd.s32 $0xFFFFFEF7, lr;
	s5 =	simm.s32 $0xFFFFFFFF;
	p2 =	slt.u32 s8, $0xFFFFF086  }
0x1c: {  	p1 =	slt.u32 s9, $0xF7A;
	s5 =	simm.s32 @!p2 $0x0  }
0x1d: {  	s5 =	simm.s32 @p1 $0x1;
	p0 =	seq.s32 s7, s2  }
0x1e: {  	s7 =	smul.u32 @!p0 $0xF7A, s2;
	p2 =	seq.s32 @!p0 s5, $0x0  }
0x1f: {  	s9 =	smul.u32 $0xF7A, s1;
	s8 =	simm.s32 @!p0 $0x1BF5;
	p2 =	por !p2, p0  }
0x20: {  	[sflag:s8] =	ssyncset.s32 @!p0 $0xFFFFF086;
	s6 =	sadd.s32 @!p0 s3, s7;
	s7 =	simm.s32 @!p0 $0x108  }
0x21: {  	s3 =	sadd.s32 s3, s9;
	s6 =	sadd.s32 @!p0 $0x88, s6;
	s7 =	simm.s32 @p2 $0x1082  }
0x22: {  	[simem:s7], [sflag:s8] =	dma.local @!p0 [hbm:s6], $0xF7A  }
0x23: {  	s9 =	sor.u32 $0xD0000000, s2;
	s6 =	simm.s32 $0x108;
	_ =	swait.ge @!p0 [sflag:s8], $0x0  }
0x24: {  	s3 =	sadd.s32 $0x88, s3;
	s6 =	simm.s32 @!p1 $0x1082;
	[sflag:s4] =	ssyncset.s32 $0xFFFFF086  }
0x25: {  	[simem:s6], [sflag:s4] =	dma.local [hbm:s3], $0xF7A  }
0x26: {  	[smem:$0x3F95] =	sst s1;
	(tag) =	ssettag s2;
	_ =	strace s9  }
0x27: {  	s1 =	sld [smem:$0x3FA5]  }
0x28: {  	s2 =	sld [smem:$0x3FA6]  }
0x29: {  	s4 =	sld [smem:$0x3FA8]  }
0x2a: {  	p0 =	seq.s32 s5, $0x0;
	s5 =	sld [smem:$0x3FA9]  }
0x2b: {  	s6 =	sld [smem:$0x3FAA]  }
0x2c: {  	s7 =	sld [smem:$0x3FAB]  }
0x2d: {  	s3 =	simm.s32 $0x108;
	s8 =	sld [smem:$0x3FAC]  }
0x2e: {  	s3 =	simm.s32 @!p0 $0x1082;
	s9 =	sld [smem:$0x3FAD]  }
0x2f: {  	lr =	sadd.s32 s0, s3;
	s0 =	sld [smem:$0x3FA4]  }
0x30: {  	s3 =	sld [smem:$0x3FA7]  }
0x31: {  	[smem:$0x3FB0] =	sst s10  }
0x32: {  	s10 =	sld [smem:$0x3FAE];
	_ =	sdelay $0x3  }
0x33: {  	p0 =	seq.s32 s10, $0x1;
	s10 =	sld [smem:$0x3FB0];
	_ =	sdelay $0x3  }
0x34: {  	[smem:$0x3FB0] =	sst s10  }
0x35: {  	s10 =	sld [smem:$0x3FAF];
	_ =	sdelay $0x3  }
0x36: {  	p1 =	seq.s32 s10, $0x1;
	s10 =	sld [smem:$0x3FB0];
	_ =	sdelay $0x3  }
0x37: {  	[smem:$0x3FB0] =	sst s10  }
0x38: {  	s10 =	sld [smem:$0x3FB1]  }
0x39: {  	_ = 	snop;
	(pc) =	sbr.ind lr, $3  }
0x3a: {  	_ = 	snop  }
0x3b: {  	_ = 	snop  }
0x3c: {  	p2 =	seq.s32 s10, $0x1;
	s10 =	sld [smem:$0x3FB0]  }
0x3d: {  	_ =	shalt  }
0x3e: {  	_ =	shalt  }
0x3f: {  	_ =	shalt  }
0x40: {  	_ =	shalt  }
0x41: {  	_ =	shalt  }
0x42: {  	_ =	shalt  }
0x43: {  	_ =	shalt  }
0x44: {  	_ =	shalt  }
0x45: {  	_ =	shalt  }
0x46: {  	_ =	shalt  }
0x47: {  	_ =	shalt  }
0x48: {  	_ =	shalt  }
0x49: {  	_ =	shalt  }
0x4a: {  	_ =	shalt  }
0x4b: {  	_ =	shalt  }
0x4c: {  	_ =	shalt  }
0x4d: {  	_ =	shalt  }
0x4e: {  	_ =	shalt  }
0x4f: {  	_ =	shalt  }
0x50: {  	_ =	shalt  }
0x51: {  	_ =	shalt  }
0x52: {  	_ =	shalt  }
0x53: {  	_ =	shalt  }
0x54: {  	_ =	shalt  }
0x55: {  	_ =	shalt  }
0x56: {  	_ =	shalt  }
0x57: {  	_ =	shalt  }
0x58: {  	_ =	shalt  }
0x59: {  	_ =	shalt  }
0x5a: {  	_ =	shalt  }
0x5b: {  	_ =	shalt  }
0x5c: {  	_ =	shalt  }
0x5d: {  	_ =	shalt  }
0x5e: {  	_ =	shalt  }
0x5f: {  	_ =	shalt  }
0x60: {  	_ =	shalt  }
0x61: {  	_ =	shalt  }
0x62: {  	_ =	shalt  }
0x63: {  	_ =	shalt  }
0x64: {  	_ =	shalt  }
0x65: {  	_ =	shalt  }
0x66: {  	_ =	shalt  }
0x67: {  	_ =	shalt  }
0x68: {  	_ =	shalt  }
0x69: {  	_ =	shalt  }
0x6a: {  	_ =	shalt  }
0x6b: {  	_ =	shalt  }
0x6c: {  	_ =	shalt  }
0x6d: {  	_ =	shalt  }
0x6e: {  	_ =	shalt  }
0x6f: {  	_ =	shalt  }
0x70: {  	_ =	shalt  }
0x71: {  	_ =	shalt  }
0x72: {  	_ =	shalt  }
0x73: {  	_ =	shalt  }
0x74: {  	_ =	shalt  }
0x75: {  	_ =	shalt  }
0x76: {  	_ =	shalt  }
0x77: {  	_ =	shalt  }
0x78: {  	_ =	shalt  }
0x79: {  	_ =	shalt  }
0x7a: {  	_ =	shalt  }
0x7b: {  	_ =	shalt  }
0x7c: {  	_ =	shalt  }
0x7d: {  	_ =	shalt  }
0x7e: {  	_ =	shalt  }
0x7f: {  	_ =	shalt  }
0x80: {  	_ =	shalt  }
0x81: {  	_ =	shalt  }
0x82: {  	_ =	shalt  }
0x83: {  	_ =	shalt  }
0x84: {  	_ =	shalt  }
0x85: {  	_ =	shalt  }
0x86: {  	_ =	shalt  }
0x87: {  	_ =	shalt  }
.Lfunc_end0:
.L_simem_size_0:
called_computation_lowered:
.L_overlay_start_0:
0x88: {  	s2 =	sld [smem:$0x3FD9]  }
0x89: {  	s3 =	sld [smem:$0x3FFE];
	_ =	sdelay $0x1  }
0x8a: {  	s1 =	srdreg.scid  }
0x8b: {  	s0 =	sand.u32 $0x1, s1  }
0x8c: {  	s16 =	sshll.u32 s0, $0xA;
	s2 =	sadd.s32 s3, s2  }
0x8d: {  	s2 =	sadd.s32 s2, s16  }
0x8e: {  	[smem:$0x3FBC] =	sst s2  }
0x8f: {  	_ = 	snop  }
0x90: {  	(tm) =	ssettm $0x1  }
0x91: {  	s17 =	sld [smem:$0x3FFB];
	_ =	sdelay $0x3  }
0x92: {  	_ =	strace s17  }
0x93: {  	s2 =	sld [smem:$0x3FFC];
	_ =	sdelay $0x3  }
0x94: {  	_ =	strace s2  }
0x95: {  	s2 =	sld [smem:$0x3FFD];
	_ =	sdelay $0x3  }
0x96: {  	_ =	strace s2  }
0x97: {  	_ =	strace $0x8FFFFFFF  }
0x98: {  	s18 =	sld [smem:$0x3FDB];
	_ =	sdelay $0x1  }
0x99: {  	s19 =	simm.s32 $_scs_section_size  }
0x9a: {  	s4 =	simm.s32 $_size__tile_overlayer_lowered;
	s5 =	simm.s32 $_tile_overlayer_lowered  }
0x9b: {  	s22 =	simm.s32 $0x1BFF;
	s21 =	sshll.u32 s5, $0x1;
	s2 =	sadd.s32 s19, s18  }
0x9c: {  	s6 =	simm.s32 $0x0;
	s20 =	sshll.u32 s4, $0x1;
	s4 =	sadd.s32 s21, s2  }
0x9d: {  	[timem:s6], [sflag:s22] =	dma.local [hbm:s4], s20  }
0x9e: {  	_ =	swait.ge [sflag:s22], s20  }
0x9f: {  	s3 =	ssub.s32 $0x0, s20;
	[sflag:s22] =	ssyncset.done $0x0  }
0xa0: {  	[sflag:s22] =	ssyncadd.s32 s3;
	_ =	sdelay $0x1  }
0xa1: {  	s23 =	simm.s32 $0x1B8B  }
0xa2: {  	_ =	swait.ge [sflag:s23], $0x1  }
0xa3: {  	[sflag:s23] =	ssyncset.done $0x0  }
0xa4: {  	s25 =	simm.s32 $0x1B8E;
	s24 =	sld [smem:$0x3FFE];
	[sflag:s23] =	ssyncadd.s32 $0xFFFFFFFF  }
0xa5: {  	s26 =	simm.s32 $execute0_lowered;
	[smem:$0x3FD2] =	sst s25  }
0xa6: {  	s4 =	sshll.u32 s26, $0x1;
	_ =	strace $0x80000046;
	[dreg:$0x1] =	wrdreg $0xFFFFFFFF  }
0xa7: {  	s28 =	simm.s32 $_size_execute0_lowered;
	s2 =	sadd.s32 s2, s4;
	[dreg:$0x0] =	wrdreg $0x0  }
0xa8: {  	s4 =	sshll.u32 s28, $0x1;
	[dreg:$0x2] =	wrdreg s2  }
0xa9: {  	[dreg:$0x3] =	wrdreg s4  }
0xaa: {  	[dreg:$0x4] =	wrdreg $0xC0  }
0xab: {  	_ =	task [dreg:s6], $0x5FFFF  }
0xac: {  	[dreg:$0x1] =	wrdreg $0xFFFFFFFF  }
0xad: {  	[dreg:$0x0] =	wrdreg $0x60  }
0xae: {  	[dreg:$0x2] =	wrdreg s24  }
0xaf: {  	[dreg:$0x3] =	wrdreg $0x9  }
0xb0: {  	_ =	task.clear_ibuf [dreg:s6], $0x4FFFF;
	_ =	strace $0x90000046  }
0xb1: {  	s29 =	simm.s32 $0x9;
	_ =	strace $0x80000048  }
0xb2: {  	_ =	swait.ge [sflag:s29], $0x1  }
0xb3: {  	[sflag:s29] =	ssyncadd.s32 $0xFFFFFFFF  }
0xb4: {  	_ =	strace $0x90000048  }
0xb5: {  	_ =	sfence  }
0xb6: {  	s30 =	sld [smem:$0x0];
	_ =	sdelay $0x2  }
0xb7: {  	s31 =	sshll.u32 s1, $0xD;
	s1 =	sshrl.u32 s1, $0x2  }
0xb8: {  	s3 =	sand.u32 $0x4000, s31;
	s1 =	sadd.s32 s1, s30  }
0xb9: {  	s0 =	sor.u32 s3, s0;
	s1 =	sshll.u32 s1, $0x11  }
0xba: {  	s0 =	sor.u32 s1, s0  }
0xbb: {  	s0 =	sadd.s32 $0x8F2B, s0  }
0xbc: {  	[sflag:s0] =	ssyncadd.remote.s32 $0x1  }
0xbd: {  	_ =	sfence.sel $0xFFFF  }
0xbe: {  	[dreg:$0x0] =	wrdreg $0xFFFFFFFF;
	(pc) =	sbr.abs _section_cstart, $3  }
0xbf: {  	[dreg:$0x1] =	wrdreg $0xFFFFFFFF  }
0xc0: {  	_ =	task.clear_ibuf [dreg:s6], $0x2FFFF;
	_ =	strace $0x9FFFFFFF  }
0xc1: {  	(tm) =	ssettm $0x7FFFFFFF  }
tec
execute0_lowered:
.L_overlay_start_1:
0x0: {  	(tag) =	ssettag $0x1  }
0x1: {  	s0 =	srdreg.scid;
	s1 =	stileid.u32  }
0x2: {  	s11 =	rddreg [dreg:$0x0];
	s2 =	simm.s32 $0x0;
	s9 =	simm.s32 $0x600  }
0x3: {  	s3 =	sand.u32 $0x1, s0;
	s19 =	sshll.u32 s1, $0x1;
	[smem:$0x7FF] =	sst s2  }
0x4: {  	s20 =	sadd.s32 $0x10400, s11;
	s7 =	sadd.s32 $0x50400, s11;
	s0 =	sor.u32 s3, s19  }
0x5: {  	s1 =	sadd.s32 $0x90400, s11;
	[dreg:$0xc] =	wrdreg s3;
	s4 =	sshll.u32 s0, $0xD  }
0x6: {  	_ =	strace $0x80000047;
	s5 =	sadd.s32 s20, s4;
	s6 =	sor.u32 $0x800, s4  }
0x7: {  	s30 =	sor.u32 $0x1000, s4;
	s23 =	sadd.s32 s7, s4;
	[dreg:$0x2] =	wrdreg s5  }
0x8: {  	s31 =	sor.u32 $0x1800, s4;
	s4 =	sadd.s32 s1, s4;
	[dreg:$0x6] =	wrdreg s23  }
0x9: {  	s25 =	sshll.u32 s0, $0x8;
	s21 =	sadd.s32 s20, s6;
	[dreg:$0xa] =	wrdreg s4  }
0xa: {  	s8 =	sadd.s32 s25, s11;
	s22 =	sadd.s32 s20, s30;
	[dreg:$0x3] =	wrdreg s21  }
0xb: {  	s3 =	sadd.s32 s20, s31;
	s24 =	sadd.s32 s7, s6;
	[dreg:$0x4] =	wrdreg s22  }
0xc: {  	s26 =	sadd.s32 s7, s30;
	s0 =	sadd.s32 s7, s31;
	[dreg:$0x5] =	wrdreg s3  }
0xd: {  	s6 =	sadd.s32 s1, s6;
	[dreg:$0x7] =	wrdreg s24;
	s3 =	sadd.s32 $0x2400, s8  }
0xe: {  	[tilespmem:s2], [sflag:$0x3] =	stream.linear.gather [hbm4b:s3+s2], $0x180, $0x38;
	[tilespmem:$0x1C800] =	vst v63  }
0xf: {  	s4 =	sadd.s32 $0x2440, s8;
	s5 =	simm.s32 $0x200;
	[dreg:$0x8] =	wrdreg s26  }
0x10: {  	[tilespmem:s5], [sflag:$0x3] =	stream.linear.gather [hbm4b:s4+s2], $0x180, $0x38;
	[tilespmem:$0x1C800] =	vst v63  }
0x11: {  	s7 =	simm.s32 $0x400;
	[dreg:$0xb] =	wrdreg s6;
	s6 =	sadd.s32 $0x2480, s8  }
0x12: {  	[tilespmem:s7], [sflag:$0x3] =	stream.linear.gather [hbm4b:s6+s2], $0x180, $0x38;
	[tilespmem:$0x1C800] =	vst v63  }
0x13: {  	s10 =	simm.s32 $0x3;
	[dreg:$0x9] =	wrdreg s0;
	s8 =	sadd.s32 $0x24C0, s8  }
0x14: {  	[tilespmem:s9], [sflag:$0x3] =	stream.linear.gather [hbm4b:s8+s2], $0x180, $0x38;
	[tilespmem:$0x1C800] =	vst v63  }
0x15: {  	_ =	swait.ge [sflag:s10], $0x600  }
0x16: {  	s12 =	simm.s32 $0x80;
	[sflag:s10] =	ssyncset.done $0x0  }
0x17: {  	s13 =	simm.s32 $0x800;
	s11 =	sadd.s32 $0x4400, s11;
	[sflag:s10] =	ssyncadd.s32 $0xFFFFFA00  }
0x18: {  	[tilespmem:s13], [sflag:$0x1] =	stream.indirect.gather [hbm4b:s11+s12], $0x80, s2, s12, $0xb8;
	[tilespmem:$0x1C800] =	vst v63  }
0x19: {  	s14 =	simm.s32 $0x4800  }
0x1a: {  	[tilespmem:s14], [sflag:$0x1] =	stream.indirect.gather [hbm4b:s11+s12], $0x80, s5, s12, $0xb8;
	[tilespmem:$0x1C800] =	vst v63  }
0x1b: {  	s15 =	simm.s32 $0x8800  }
0x1c: {  	[tilespmem:s15], [sflag:$0x1] =	stream.indirect.gather [hbm4b:s11+s12], $0x80, s7, s12, $0xb8;
	[tilespmem:$0x1C800] =	vst v63  }
0x1d: {  	s16 =	simm.s32 $0xC800  }
0x1e: {  	[tilespmem:s16], [sflag:$0x1] =	stream.indirect.gather [hbm4b:s11+s12], $0x80, s9, s12, $0xb8;
	[tilespmem:$0x1C800] =	vst v63  }
0x1f: {  	s17 =	simm.s32 $0x10800  }
0x20: {  	[tilespmem:s17], [sflag:$0x1] =	stream.indirect.gather [hbm4b:s11+s12], $0x80, s12, s12, $0xb8;
	[tilespmem:$0x1C800] =	vst v63  }
0x21: {  	s18 =	simm.s32 $0x280;
	s19 =	simm.s32 $0x14800  }
0x22: {  	[tilespmem:s19], [sflag:$0x1] =	stream.indirect.gather [hbm4b:s11+s12], $0x80, s18, s12, $0xb8;
	[tilespmem:$0x1C800] =	vst v63  }
0x23: {  	s20 =	simm.s32 $0x480;
	s21 =	simm.s32 $0x18800;
	s22 =	simm.s32 $0x1  }
0x24: {  	[tilespmem:s21], [sflag:$0x1] =	stream.indirect.gather [hbm4b:s11+s12], $0x80, s20, s12, $0xb8;
	[tilespmem:$0x1C800] =	vst v63  }
0x25: {  	_ =	swait.ge [sflag:s22], $0x4000  }
0x26: {  	[sflag:s22] =	ssyncset.done $0x0  }
0x27: {  	s23 =	rddreg [dreg:$0x2];
	[sflag:s22] =	ssyncadd.s32 $0xFFFFC000  }
0x28: {  	[hbm4b:s23+s2] =	stream.linear.scatter [tilespmem:s13], [sflag:$0x2], $0x4000, $0x38;
	[tilespmem:$0x1C800] =	vst v63  }
0x29: {  	s23 =	simm.s32 $0x2  }
0x2a: {  	_ =	swait.ge [sflag:s23], $0x4000  }
0x2b: {  	[sflag:s23] =	ssyncset.done $0x0  }
0x2c: {  	s24 =	simm.s32 $0x680;
	[sflag:s23] =	ssyncadd.s32 $0xFFFFC000  }
0x2d: {  	[tilespmem:s13], [sflag:$0x1] =	stream.indirect.gather [hbm4b:s11+s12], $0x80, s24, s12, $0xb8;
	[tilespmem:$0x1C800] =	vst v63  }
0x2e: {  	_ =	swait.ge [sflag:s22], $0x4000  }
0x2f: {  	[sflag:s22] =	ssyncset.done $0x0  }
0x30: {  	s25 =	rddreg [dreg:$0x3];
	[sflag:s22] =	ssyncadd.s32 $0xFFFFC000  }
0x31: {  	[hbm4b:s25+s2] =	stream.linear.scatter [tilespmem:s14], [sflag:$0x2], $0x4000, $0x38;
	[tilespmem:$0x1C800] =	vst v63  }
0x32: {  	_ =	swait.ge [sflag:s23], $0x4000  }
0x33: {  	[sflag:s23] =	ssyncset.done $0x0  }
0x34: {  	s25 =	simm.s32 $0x100;
	[sflag:s23] =	ssyncadd.s32 $0xFFFFC000  }
0x35: {  	[tilespmem:s14], [sflag:$0x1] =	stream.indirect.gather [hbm4b:s11+s12], $0x80, s25, s12, $0xb8;
	[tilespmem:$0x1C800] =	vst v63  }
0x36: {  	_ =	swait.ge [sflag:s22], $0x4000  }
0x37: {  	[sflag:s22] =	ssyncset.done $0x0  }
0x38: {  	s26 =	rddreg [dreg:$0x4];
	[sflag:s22] =	ssyncadd.s32 $0xFFFFC000  }
0x39: {  	[hbm4b:s26+s2] =	stream.linear.scatter [tilespmem:s15], [sflag:$0x2], $0x4000, $0x38;
	[tilespmem:$0x1C800] =	vst v63  }
0x3a: {  	_ =	swait.ge [sflag:s23], $0x4000  }
0x3b: {  	[sflag:s23] =	ssyncset.done $0x0  }
0x3c: {  	s26 =	simm.s32 $0x300;
	[sflag:s23] =	ssyncadd.s32 $0xFFFFC000  }
0x3d: {  	[tilespmem:s15], [sflag:$0x1] =	stream.indirect.gather [hbm4b:s11+s12], $0x80, s26, s12, $0xb8;
	[tilespmem:$0x1C800] =	vst v63  }
0x3e: {  	_ =	swait.ge [sflag:s22], $0x4000  }
0x3f: {  	[sflag:s22] =	ssyncset.done $0x0  }
0x40: {  	s28 =	rddreg [dreg:$0x5];
	[sflag:s22] =	ssyncadd.s32 $0xFFFFC000  }
0x41: {  	[hbm4b:s28+s2] =	stream.linear.scatter [tilespmem:s16], [sflag:$0x2], $0x4000, $0x38;
	[tilespmem:$0x1C800] =	vst v63  }
0x42: {  	_ =	swait.ge [sflag:s23], $0x4000  }
0x43: {  	[sflag:s23] =	ssyncset.done $0x0  }
0x44: {  	s28 =	simm.s32 $0x500;
	[sflag:s23] =	ssyncadd.s32 $0xFFFFC000  }
0x45: {  	[tilespmem:s16], [sflag:$0x1] =	stream.indirect.gather [hbm4b:s11+s12], $0x80, s28, s12, $0xb8;
	[tilespmem:$0x1C800] =	vst v63  }
0x46: {  	_ =	swait.ge [sflag:s22], $0x4000  }
0x47: {  	[sflag:s22] =	ssyncset.done $0x0  }
0x48: {  	s29 =	rddreg [dreg:$0x6];
	[sflag:s22] =	ssyncadd.s32 $0xFFFFC000  }
0x49: {  	[hbm4b:s29+s2] =	stream.linear.scatter [tilespmem:s17], [sflag:$0x2], $0x4000, $0x38;
	[tilespmem:$0x1C800] =	vst v63  }
0x4a: {  	_ =	swait.ge [sflag:s23], $0x4000  }
0x4b: {  	[sflag:s23] =	ssyncset.done $0x0  }
0x4c: {  	s29 =	simm.s32 $0x700;
	[sflag:s23] =	ssyncadd.s32 $0xFFFFC000  }
0x4d: {  	[tilespmem:s17], [sflag:$0x1] =	stream.indirect.gather [hbm4b:s11+s12], $0x80, s29, s12, $0xb8;
	[tilespmem:$0x1C800] =	vst v63  }
0x4e: {  	_ =	swait.ge [sflag:s22], $0x4000  }
0x4f: {  	[sflag:s22] =	ssyncset.done $0x0  }
0x50: {  	s0 =	rddreg [dreg:$0x7];
	[sflag:s22] =	ssyncadd.s32 $0xFFFFC000  }
0x51: {  	[hbm4b:s0+s2] =	stream.linear.scatter [tilespmem:s19], [sflag:$0x2], $0x4000, $0x38;
	[tilespmem:$0x1C800] =	vst v63  }
0x52: {  	_ =	swait.ge [sflag:s22], $0x4000  }
0x53: {  	[sflag:s22] =	ssyncset.done $0x0  }
0x54: {  	s0 =	rddreg [dreg:$0x8];
	[sflag:s22] =	ssyncadd.s32 $0xFFFFC000  }
0x55: {  	[hbm4b:s0+s2] =	stream.linear.scatter [tilespmem:s21], [sflag:$0x2], $0x4000, $0x38;
	[tilespmem:$0x1C800] =	vst v63  }
0x56: {  	_ =	swait.ge [sflag:s22], $0x4000  }
0x57: {  	[sflag:s22] =	ssyncset.done $0x0  }
0x58: {  	s0 =	rddreg [dreg:$0x9];
	[sflag:s22] =	ssyncadd.s32 $0xFFFFC000  }
0x59: {  	[hbm4b:s0+s2] =	stream.linear.scatter [tilespmem:s13], [sflag:$0x2], $0x4000, $0x38;
	[tilespmem:$0x1C800] =	vst v63  }
0x5a: {  	_ =	swait.ge [sflag:s22], $0x4000  }
0x5b: {  	[sflag:s22] =	ssyncset.done $0x0  }
0x5c: {  	s0 =	rddreg [dreg:$0xa];
	[sflag:s22] =	ssyncadd.s32 $0xFFFFC000  }
0x5d: {  	[hbm4b:s0+s2] =	stream.linear.scatter [tilespmem:s14], [sflag:$0x2], $0x4000, $0x38;
	[tilespmem:$0x1C800] =	vst v63  }
0x5e: {  	_ =	swait.ge [sflag:s22], $0x4000  }
0x5f: {  	[sflag:s22] =	ssyncset.done $0x0  }
0x60: {  	s0 =	rddreg [dreg:$0xb];
	[sflag:s22] =	ssyncadd.s32 $0xFFFFC000  }
0x61: {  	[hbm4b:s0+s2] =	stream.linear.scatter [tilespmem:s15], [sflag:$0x2], $0x4000, $0x38;
	[tilespmem:$0x1C800] =	vst v63  }
0x62: {  	_ =	swait.ge [sflag:s22], $0x4000  }
0x63: {  	[sflag:s22] =	ssyncset.done $0x0  }
0x64: {  	s30 =	sadd.s32 s1, s30;
	[sflag:s22] =	ssyncadd.s32 $0xFFFFC000  }
0x65: {  	[hbm4b:s30+s2] =	stream.linear.scatter [tilespmem:s16], [sflag:$0x2], $0x4000, $0x38;
	[tilespmem:$0x1C800] =	vst v63  }
0x66: {  	_ =	swait.ge [sflag:s22], $0x4000  }
0x67: {  	[sflag:s22] =	ssyncset.done $0x0  }
0x68: {  	s31 =	sadd.s32 s1, s31;
	[sflag:s22] =	ssyncadd.s32 $0xFFFFC000  }
0x69: {  	[hbm4b:s31+s2] =	stream.linear.scatter [tilespmem:s17], [sflag:$0x2], $0x4000, $0x38;
	[tilespmem:$0x1C800] =	vst v63  }
0x6a: {  	_ =	swait.ge [sflag:s23], $0x4000  }
0x6b: {  	[sflag:s23] =	ssyncset.done $0x0  }
0x6c: {  	[sflag:s23] =	ssyncadd.s32 $0xFFFFC000  }
0x6d: {  	_ =	swait.ge [sflag:s23], $0x4000  }
0x6e: {  	[sflag:s23] =	ssyncset.done $0x0  }
0x6f: {  	[sflag:s23] =	ssyncadd.s32 $0xFFFFC000  }
0x70: {  	_ =	swait.ge [sflag:s23], $0x4000  }
0x71: {  	[sflag:s23] =	ssyncset.done $0x0  }
0x72: {  	[sflag:s23] =	ssyncadd.s32 $0xFFFFC000  }
0x73: {  	_ =	swait.ge [sflag:s23], $0x4000  }
0x74: {  	[sflag:s23] =	ssyncset.done $0x0  }
0x75: {  	[sflag:s23] =	ssyncadd.s32 $0xFFFFC000  }
0x76: {  	_ =	swait.ge [sflag:s23], $0x4000  }
0x77: {  	s1 =	rddreg [dreg:$0xc]  }
0x78: {  	s0 =	ssub.s32 $0x2, s1  }
0x79: {  	s1 =	sshrl.u32 s0, $0x1  }
0x7a: {  	s0 =	ssub.s32 s0, s1  }
0x7b: {  	[sflag:s23] =	ssyncset.done $0x0;
	s0 =	smax.u32 s0, $0x1  }
0x7c: {  	[sflag:s23] =	ssyncadd.s32 $0xFFFFC000;
	p0 =	sne.s32 s0, $0x1  }
.Ltmp0:
0x7d: {  	_ =	swait.ge [sflag:s23], $0x4000;
	(pc) =	sbr.rel @!p0 .LBB2_2-.Ltmp0, $4  }
0x7e: {  	[sflag:s23] =	ssyncset.done $0x0  }
0x7f: {  	[sflag:s23] =	ssyncadd.s32 $0xFFFFC000  }
0x80: {  	_ =	swait.ge [sflag:s23], $0x4000  }
0x81: {  	s1 =	sadd.s32 $0xFFFFFFFF, s0;
	[sflag:s23] =	ssyncset.done $0x0  }
.LBB2_1:
0x82: {  	[sflag:s23] =	ssyncadd.s32 $0xFFFFC000  }
0x83: {  	[tilespmem:s2], [sflag:$0x3] =	stream.linear.gather [hbm4b:s3+s2], $0x180, $0x38;
	[tilespmem:$0x1C800] =	vst v63  }
0x84: {  	_ = 	snop  }
0x85: {  	[tilespmem:s5], [sflag:$0x3] =	stream.linear.gather [hbm4b:s4+s2], $0x180, $0x38;
	[tilespmem:$0x1C800] =	vst v63  }
0x86: {  	_ = 	snop  }
0x87: {  	[tilespmem:s7], [sflag:$0x3] =	stream.linear.gather [hbm4b:s6+s2], $0x180, $0x38;
	[tilespmem:$0x1C800] =	vst v63  }
0x88: {  	_ = 	snop  }
0x89: {  	[tilespmem:s9], [sflag:$0x3] =	stream.linear.gather [hbm4b:s8+s2], $0x180, $0x38;
	[tilespmem:$0x1C800] =	vst v63  }
0x8a: {  	_ =	swait.ge [sflag:s10], $0x600  }
0x8b: {  	[sflag:s10] =	ssyncset.done $0x0  }
0x8c: {  	[sflag:s10] =	ssyncadd.s32 $0xFFFFFA00  }
0x8d: {  	[tilespmem:s13], [sflag:$0x1] =	stream.indirect.gather [hbm4b:s11+s12], $0x80, s2, s12, $0xb8;
	[tilespmem:$0x1C800] =	vst v63  }
0x8e: {  	_ = 	snop  }
0x8f: {  	[tilespmem:s14], [sflag:$0x1] =	stream.indirect.gather [hbm4b:s11+s12], $0x80, s5, s12, $0xb8;
	[tilespmem:$0x1C800] =	vst v63  }
0x90: {  	_ = 	snop  }
0x91: {  	[tilespmem:s15], [sflag:$0x1] =	stream.indirect.gather [hbm4b:s11+s12], $0x80, s7, s12, $0xb8;
	[tilespmem:$0x1C800] =	vst v63  }
0x92: {  	_ = 	snop  }
0x93: {  	[tilespmem:s16], [sflag:$0x1] =	stream.indirect.gather [hbm4b:s11+s12], $0x80, s9, s12, $0xb8;
	[tilespmem:$0x1C800] =	vst v63  }
0x94: {  	_ = 	snop  }
0x95: {  	[tilespmem:s17], [sflag:$0x1] =	stream.indirect.gather [hbm4b:s11+s12], $0x80, s12, s12, $0xb8;
	[tilespmem:$0x1C800] =	vst v63  }
0x96: {  	_ = 	snop  }
0x97: {  	[tilespmem:s19], [sflag:$0x1] =	stream.indirect.gather [hbm4b:s11+s12], $0x80, s18, s12, $0xb8;
	[tilespmem:$0x1C800] =	vst v63  }
0x98: {  	_ = 	snop  }
0x99: {  	[tilespmem:s21], [sflag:$0x1] =	stream.indirect.gather [hbm4b:s11+s12], $0x80, s20, s12, $0xb8;
	[tilespmem:$0x1C800] =	vst v63  }
0x9a: {  	_ =	swait.ge [sflag:s22], $0x4000  }
0x9b: {  	[sflag:s22] =	ssyncset.done $0x0  }
0x9c: {  	s0 =	rddreg [dreg:$0x2];
	[sflag:s22] =	ssyncadd.s32 $0xFFFFC000  }
0x9d: {  	[hbm4b:s0+s2] =	stream.linear.scatter [tilespmem:s13], [sflag:$0x2], $0x4000, $0x38;
	[tilespmem:$0x1C800] =	vst v63  }
0x9e: {  	_ =	swait.ge [sflag:s23], $0x4000  }
0x9f: {  	[sflag:s23] =	ssyncset.done $0x0  }
0xa0: {  	[sflag:s23] =	ssyncadd.s32 $0xFFFFC000  }
0xa1: {  	[tilespmem:s13], [sflag:$0x1] =	stream.indirect.gather [hbm4b:s11+s12], $0x80, s24, s12, $0xb8;
	[tilespmem:$0x1C800] =	vst v63  }
0xa2: {  	_ =	swait.ge [sflag:s22], $0x4000  }
0xa3: {  	[sflag:s22] =	ssyncset.done $0x0  }
0xa4: {  	s0 =	rddreg [dreg:$0x3];
	[sflag:s22] =	ssyncadd.s32 $0xFFFFC000  }
0xa5: {  	[hbm4b:s0+s2] =	stream.linear.scatter [tilespmem:s14], [sflag:$0x2], $0x4000, $0x38;
	[tilespmem:$0x1C800] =	vst v63  }
0xa6: {  	_ =	swait.ge [sflag:s23], $0x4000  }
0xa7: {  	[sflag:s23] =	ssyncset.done $0x0  }
0xa8: {  	[sflag:s23] =	ssyncadd.s32 $0xFFFFC000  }
0xa9: {  	[tilespmem:s14], [sflag:$0x1] =	stream.indirect.gather [hbm4b:s11+s12], $0x80, s25, s12, $0xb8;
	[tilespmem:$0x1C800] =	vst v63  }
0xaa: {  	_ =	swait.ge [sflag:s22], $0x4000  }
0xab: {  	[sflag:s22] =	ssyncset.done $0x0  }
0xac: {  	s0 =	rddreg [dreg:$0x4];
	[sflag:s22] =	ssyncadd.s32 $0xFFFFC000  }
0xad: {  	[hbm4b:s0+s2] =	stream.linear.scatter [tilespmem:s15], [sflag:$0x2], $0x4000, $0x38;
	[tilespmem:$0x1C800] =	vst v63  }
0xae: {  	_ =	swait.ge [sflag:s23], $0x4000  }
0xaf: {  	[sflag:s23] =	ssyncset.done $0x0  }
0xb0: {  	[sflag:s23] =	ssyncadd.s32 $0xFFFFC000  }
0xb1: {  	[tilespmem:s15], [sflag:$0x1] =	stream.indirect.gather [hbm4b:s11+s12], $0x80, s26, s12, $0xb8;
	[tilespmem:$0x1C800] =	vst v63  }
0xb2: {  	_ =	swait.ge [sflag:s22], $0x4000  }
0xb3: {  	[sflag:s22] =	ssyncset.done $0x0  }
0xb4: {  	s0 =	rddreg [dreg:$0x5];
	[sflag:s22] =	ssyncadd.s32 $0xFFFFC000  }
0xb5: {  	[hbm4b:s0+s2] =	stream.linear.scatter [tilespmem:s16], [sflag:$0x2], $0x4000, $0x38;
	[tilespmem:$0x1C800] =	vst v63  }
0xb6: {  	_ =	swait.ge [sflag:s23], $0x4000  }
0xb7: {  	[sflag:s23] =	ssyncset.done $0x0  }
0xb8: {  	[sflag:s23] =	ssyncadd.s32 $0xFFFFC000  }
0xb9: {  	[tilespmem:s16], [sflag:$0x1] =	stream.indirect.gather [hbm4b:s11+s12], $0x80, s28, s12, $0xb8;
	[tilespmem:$0x1C800] =	vst v63  }
0xba: {  	_ =	swait.ge [sflag:s22], $0x4000  }
0xbb: {  	[sflag:s22] =	ssyncset.done $0x0  }
0xbc: {  	s0 =	rddreg [dreg:$0x6];
	[sflag:s22] =	ssyncadd.s32 $0xFFFFC000  }
0xbd: {  	[hbm4b:s0+s2] =	stream.linear.scatter [tilespmem:s17], [sflag:$0x2], $0x4000, $0x38;
	[tilespmem:$0x1C800] =	vst v63  }
0xbe: {  	_ =	swait.ge [sflag:s23], $0x4000  }
0xbf: {  	[sflag:s23] =	ssyncset.done $0x0  }
0xc0: {  	[sflag:s23] =	ssyncadd.s32 $0xFFFFC000  }
0xc1: {  	[tilespmem:s17], [sflag:$0x1] =	stream.indirect.gather [hbm4b:s11+s12], $0x80, s29, s12, $0xb8;
	[tilespmem:$0x1C800] =	vst v63  }
0xc2: {  	_ =	swait.ge [sflag:s22], $0x4000  }
0xc3: {  	[sflag:s22] =	ssyncset.done $0x0  }
0xc4: {  	s0 =	rddreg [dreg:$0x7];
	[sflag:s22] =	ssyncadd.s32 $0xFFFFC000  }
0xc5: {  	[hbm4b:s0+s2] =	stream.linear.scatter [tilespmem:s19], [sflag:$0x2], $0x4000, $0x38;
	[tilespmem:$0x1C800] =	vst v63  }
0xc6: {  	_ =	swait.ge [sflag:s22], $0x4000  }
0xc7: {  	[sflag:s22] =	ssyncset.done $0x0  }
0xc8: {  	s0 =	rddreg [dreg:$0x8];
	[sflag:s22] =	ssyncadd.s32 $0xFFFFC000  }
0xc9: {  	[hbm4b:s0+s2] =	stream.linear.scatter [tilespmem:s21], [sflag:$0x2], $0x4000, $0x38;
	[tilespmem:$0x1C800] =	vst v63  }
0xca: {  	_ =	swait.ge [sflag:s22], $0x4000  }
0xcb: {  	[sflag:s22] =	ssyncset.done $0x0  }
0xcc: {  	s0 =	rddreg [dreg:$0x9];
	[sflag:s22] =	ssyncadd.s32 $0xFFFFC000  }
0xcd: {  	[hbm4b:s0+s2] =	stream.linear.scatter [tilespmem:s13], [sflag:$0x2], $0x4000, $0x38;
	[tilespmem:$0x1C800] =	vst v63  }
0xce: {  	_ =	swait.ge [sflag:s22], $0x4000  }
0xcf: {  	[sflag:s22] =	ssyncset.done $0x0  }
0xd0: {  	s0 =	rddreg [dreg:$0xa];
	[sflag:s22] =	ssyncadd.s32 $0xFFFFC000  }
0xd1: {  	[hbm4b:s0+s2] =	stream.linear.scatter [tilespmem:s14], [sflag:$0x2], $0x4000, $0x38;
	[tilespmem:$0x1C800] =	vst v63  }
0xd2: {  	_ =	swait.ge [sflag:s22], $0x4000  }
0xd3: {  	[sflag:s22] =	ssyncset.done $0x0  }
0xd4: {  	s0 =	rddreg [dreg:$0xb];
	[sflag:s22] =	ssyncadd.s32 $0xFFFFC000  }
0xd5: {  	[hbm4b:s0+s2] =	stream.linear.scatter [tilespmem:s15], [sflag:$0x2], $0x4000, $0x38;
	[tilespmem:$0x1C800] =	vst v63  }
0xd6: {  	_ =	swait.ge [sflag:s22], $0x4000  }
0xd7: {  	[sflag:s22] =	ssyncset.done $0x0  }
0xd8: {  	[sflag:s22] =	ssyncadd.s32 $0xFFFFC000  }
0xd9: {  	[hbm4b:s30+s2] =	stream.linear.scatter [tilespmem:s16], [sflag:$0x2], $0x4000, $0x38;
	[tilespmem:$0x1C800] =	vst v63  }
0xda: {  	_ =	swait.ge [sflag:s22], $0x4000  }
0xdb: {  	[sflag:s22] =	ssyncset.done $0x0  }
0xdc: {  	[sflag:s22] =	ssyncadd.s32 $0xFFFFC000  }
0xdd: {  	[hbm4b:s31+s2] =	stream.linear.scatter [tilespmem:s17], [sflag:$0x2], $0x4000, $0x38;
	[tilespmem:$0x1C800] =	vst v63  }
0xde: {  	_ =	swait.ge [sflag:s23], $0x4000  }
0xdf: {  	[sflag:s23] =	ssyncset.done $0x0  }
0xe0: {  	[sflag:s23] =	ssyncadd.s32 $0xFFFFC000  }
0xe1: {  	_ =	swait.ge [sflag:s23], $0x4000  }
0xe2: {  	[sflag:s23] =	ssyncset.done $0x0  }
0xe3: {  	[sflag:s23] =	ssyncadd.s32 $0xFFFFC000  }
0xe4: {  	_ =	swait.ge [sflag:s23], $0x4000  }
0xe5: {  	[sflag:s23] =	ssyncset.done $0x0  }
0xe6: {  	[sflag:s23] =	ssyncadd.s32 $0xFFFFC000  }
0xe7: {  	_ =	swait.ge [sflag:s23], $0x4000  }
0xe8: {  	[sflag:s23] =	ssyncset.done $0x0  }
0xe9: {  	[sflag:s23] =	ssyncadd.s32 $0xFFFFC000  }
0xea: {  	_ =	swait.ge [sflag:s23], $0x4000  }
0xeb: {  	[sflag:s23] =	ssyncset.done $0x0  }
0xec: {  	p0 =	sne.s32 s1, $0x1;
	[sflag:s23] =	ssyncadd.s32 $0xFFFFC000  }
.Ltmp1:
0xed: {  	_ =	swait.ge [sflag:s23], $0x4000;
	(pc) =	sbr.rel @p0 .LBB2_1-.Ltmp1, $4  }
0xee: {  	[sflag:s23] =	ssyncset.done $0x0  }
0xef: {  	[sflag:s23] =	ssyncadd.s32 $0xFFFFC000  }
0xf0: {  	_ =	swait.ge [sflag:s23], $0x4000  }
0xf1: {  	s1 =	sadd.s32 $0xFFFFFFFF, s1;
	[sflag:s23] =	ssyncset.done $0x0  }
.LBB2_2:
0xf2: {  	[sflag:s23] =	ssyncadd.s32 $0xFFFFC000  }
0xf3: {  	_ =	sfence.sel $0x180000  }
0xf4: {  	[bflag:$0x0] =	sbarrier.arrive $0xFFFF  }
0xf5: {  	_ =	strace $0x90000047  }
0xf6: {  	s0 =	stileid.u32;
	[bflag:$0x2] =	sbarrier.arrive $0xFFFF  }
0xf7: {  	p0 =	sne.s32 s0, $0x0;
	s0 =	rddreg [dreg:$0x1]  }
0xf8: {  	s0 =	sadd.s32 @!p0 $0x100000, s0  }
0xf9: {  	[sflag:s0] =	ssyncadd.tile.s32 @!p0 $0x1;
	_ =	shalt  }
.Lfunc_end2:
_tile_overlayer_lowered:
.L_overlay_start_2:
0xfa: {  	(tag) =	ssettag $0x2  }
0xfb: {  	s0 =	rddreg [dreg:$0x0];
	s2 =	stileid.u32  }
0xfc: {  	s1 =	rddreg [dreg:$0x1];
	p0 =	sne.s32 s2, $0x0  }
0xfd: {  	s3 =	rddreg [dreg:$0x2];
	[bflag:$0x3] =	sbarrier.arrive $0xFFFF;
	s2 =	simm.s32 @!p0 $0x1C03  }
0xfe: {  	[timem:s3], [sflag:s2] =	dma.local @!p0 [hbm:s0], s1  }
0xff: {  	s0 =	simm.s32 @!p0 $0x3  }
0x100: {  	_ =	swait.ge @!p0 [sflag:s0], s1  }
0x101: {  	s1 =	ssub.s32 @!p0 $0x0, s1;
	[sflag:s0] =	ssyncset.done @!p0 $0x0  }
0x102: {  	[sflag:s0] =	ssyncadd.s32 @!p0 s1  }
0x103: {  	[bflag:$0x3] =	sbarrier.arrive $0xFFFF  }
0x104: {  	_ =	shalt  }

</sc_bundles>
